<compile_context>
chip_gen: v7x
topology: tpu7x:2x2x1
jax: 0.10.2.dev20260603
libtpu: 0.0.44.dev20260713+nightly
codegen_flags: <defaults>
</compile_context>

<pallas_src>
import functools

import jax
import jax.numpy as jnp
from jax import lax
from jax.experimental import pallas as pl
from jax.experimental.pallas import tpu as pltpu
from jax.experimental.pallas import tpu_sc as plsc

N = 10000
E = 320000
D_IN = 128
D_HID = 128
D_OUT = 237

NPAD = 10240
NC, NS = 2, 16
NW = NC * NS
CH = 128
KPW = 80
EPAD = NW * KPW * CH
RPT = NPAD // NS
HK = KPW // 2
KS = 48
KROWS = 2 * KS

_mesh = plsc.VectorSubcoreMesh(core_axis_name="c", subcore_axis_name="s")



@functools.partial(
    pl.kernel,
    mesh=_mesh,
    out_type=jax.ShapeDtypeStruct((2 * NPAD, D_IN), jnp.float32),
    scratch_types=[
        pltpu.VMEM((KS, CH), jnp.int32),
        pltpu.VMEM((KS, CH), jnp.int32),
        pltpu.VMEM((CH, D_IN), jnp.float32),
        pltpu.VMEM((CH, D_IN), jnp.float32),
        pltpu.VMEM_SHARED((NPAD, D_IN), jnp.float32),
        pltpu.SemaphoreType.DMA,
        pltpu.SemaphoreType.DMA,
    ],
)
def _sc_aggregate(table, src_hbm, dst_hbm, zeros_hbm, out, src_v, dst_v,
                  b0, b1, acc, gs0, gs1):
    cid = lax.axis_index("c")
    sid = lax.axis_index("s")
    wid = sid * NC + cid
    pltpu.sync_copy(zeros_hbm.at[pl.ds(sid * RPT, RPT)],
                    acc.at[pl.ds(sid * RPT, RPT)])
    plsc.subcore_barrier()

    def half(h, c):
        pltpu.sync_copy(src_hbm.at[wid, pl.ds(h * KS, KS)], src_v)
        pltpu.sync_copy(dst_hbm.at[wid, pl.ds(h * KS, KS)], dst_v)

        UNROLL = 8

        def body(i, c2):
            j = UNROLL * i
            bufs = (b0, b1)
            sems = (gs0, gs1)
            pend = [None, None]
            for k in range(UNROLL):
                s = k % 2
                if pend[s] is not None:
                    pend[s].wait()
                    pltpu.sync_copy(bufs[s], acc.at[dst_v.at[j + k - 2]],
                                    add=True)
                pend[s] = pltpu.async_copy(table.at[src_v.at[j + k]],
                                           bufs[s], sems[s])
            for k in range(UNROLL - 2, UNROLL):
                s = k % 2
                pend[s].wait()
                pltpu.sync_copy(bufs[s], acc.at[dst_v.at[j + k]], add=True)
            return c2

        lax.fori_loop(0, HK // UNROLL, body, 0)
        return c

    lax.fori_loop(0, 2, half, 0)
    plsc.subcore_barrier()
    pltpu.sync_copy(acc.at[pl.ds(sid * RPT, RPT)],
                    out.at[pl.ds(cid * NPAD + sid * RPT, RPT)])


@functools.partial(
    pl.kernel,
    mesh=_mesh,
    out_type=jax.ShapeDtypeStruct((2 * NPAD, D_IN), jnp.float32),
    scratch_types=[
        pltpu.VMEM((KROWS, CH), jnp.int32),
        pltpu.VMEM((CH, D_IN), jnp.float32),
        pltpu.VMEM_SHARED((NPAD, D_IN), jnp.float32),
    ],
)
def _sc_count(dst_hbm, ones_hbm, zeros_hbm, out, dst_v, ones_v, acc):
    cid = lax.axis_index("c")
    sid = lax.axis_index("s")
    wid = sid * NC + cid
    pltpu.sync_copy(dst_hbm.at[wid], dst_v)
    pltpu.sync_copy(ones_hbm, ones_v)
    pltpu.sync_copy(zeros_hbm.at[pl.ds(sid * RPT, RPT)],
                    acc.at[pl.ds(sid * RPT, RPT)])
    plsc.subcore_barrier()

    def body(j, c):
        pltpu.sync_copy(ones_v, acc.at[dst_v.at[j]], add=True)
        return c

    lax.fori_loop(0, KROWS, body, 0)
    plsc.subcore_barrier()
    pltpu.sync_copy(acc.at[pl.ds(sid * RPT, RPT)],
                    out.at[pl.ds(cid * NPAD + sid * RPT, RPT)])



_RB = 2560


def _scale_body(c0_ref, c1_ref, x_ref, xs_ref, dis_ref):
    deg = c0_ref[...] + c1_ref[...] + 1.0
    dis = lax.rsqrt(deg)
    dis_ref[...] = dis
    xs_ref[...] = x_ref[...] * dis


def _tc_scale(c0, c1, xp):
    grid = NPAD // _RB
    return pl.pallas_call(
        _scale_body,
        grid=(grid,),
        in_specs=[
            pl.BlockSpec((_RB, 1), lambda i: (i, 0)),
            pl.BlockSpec((_RB, 1), lambda i: (i, 0)),
            pl.BlockSpec((_RB, D_IN), lambda i: (i, 0)),
        ],
        out_specs=[
            pl.BlockSpec((_RB, D_IN), lambda i: (i, 0)),
            pl.BlockSpec((_RB, 1), lambda i: (i, 0)),
        ],
        out_shape=[
            jax.ShapeDtypeStruct((NPAD, D_IN), jnp.float32),
            jax.ShapeDtypeStruct((NPAD, 1), jnp.float32),
        ],
    )(c0, c1, xp)


def _mm1_body(a0_ref, a1_ref, xs_ref, dis_ref, w_ref, b_ref, o_ref):
    dis = dis_ref[...]
    t = dis * (a0_ref[...] + a1_ref[...] + xs_ref[...])
    h = jnp.dot(t, w_ref[...], preferred_element_type=jnp.float32)
    h = jnp.maximum(h + b_ref[...], 0.0)
    o_ref[...] = h * dis


def _tc_mm1(a0, a1, xs, dis, w, b):
    grid = NPAD // _RB
    return pl.pallas_call(
        _mm1_body,
        grid=(grid,),
        in_specs=[
            pl.BlockSpec((_RB, D_IN), lambda i: (i, 0)),
            pl.BlockSpec((_RB, D_IN), lambda i: (i, 0)),
            pl.BlockSpec((_RB, D_IN), lambda i: (i, 0)),
            pl.BlockSpec((_RB, 1), lambda i: (i, 0)),
            pl.BlockSpec((D_IN, D_HID), lambda i: (0, 0)),
            pl.BlockSpec((1, D_HID), lambda i: (0, 0)),
        ],
        out_specs=pl.BlockSpec((_RB, D_HID), lambda i: (i, 0)),
        out_shape=jax.ShapeDtypeStruct((NPAD, D_HID), jnp.float32),
    )(a0, a1, xs, dis, w, b)


_DOP = 256


def _mm2_body(a0_ref, a1_ref, hs_ref, dis_ref, w_ref, b_ref, o_ref):
    t = dis_ref[...] * (a0_ref[...] + a1_ref[...] + hs_ref[...])
    h = jnp.dot(t, w_ref[...], preferred_element_type=jnp.float32)
    o_ref[...] = h + b_ref[...]


def _tc_mm2(a0, a1, hs, dis, w, b):
    grid = NPAD // _RB
    return pl.pallas_call(
        _mm2_body,
        grid=(grid,),
        in_specs=[
            pl.BlockSpec((_RB, D_HID), lambda i: (i, 0)),
            pl.BlockSpec((_RB, D_HID), lambda i: (i, 0)),
            pl.BlockSpec((_RB, D_HID), lambda i: (i, 0)),
            pl.BlockSpec((_RB, 1), lambda i: (i, 0)),
            pl.BlockSpec((D_HID, _DOP), lambda i: (0, 0)),
            pl.BlockSpec((1, _DOP), lambda i: (0, 0)),
        ],
        out_specs=pl.BlockSpec((_RB, _DOP), lambda i: (i, 0)),
        out_shape=jax.ShapeDtypeStruct((NPAD, _DOP), jnp.float32),
    )(a0, a1, hs, dis, w, b)



def kernel(x, edge_index, W1, b1, W2, b2):
    def stage(idx):
        idx = idx.astype(jnp.int32)
        pad_idx = jnp.full((EPAD - E,), N, jnp.int32)
        idx = jnp.concatenate([idx, pad_idx]).reshape(NW, KPW, CH)
        tail = jnp.full((NW, KS - HK, CH), N, jnp.int32)
        return jnp.concatenate(
            [idx[:, :HK], tail, idx[:, HK:], tail], axis=1)

    src = stage(edge_index[0])
    dst = stage(edge_index[1])

    xp = jnp.pad(x, ((0, NPAD - N), (0, 0)))
    zeros = jnp.zeros((NPAD, D_IN), jnp.float32)
    ones = jnp.ones((CH, D_IN), jnp.float32)

    cnt = _sc_count(dst, ones, zeros)
    xs, dis = _tc_scale(cnt[:NPAD, :1], cnt[NPAD:, :1], xp)

    agg1 = _sc_aggregate(xs, src, dst, zeros)
    h1s = _tc_mm1(agg1[:NPAD], agg1[NPAD:], xs, dis, W1,
                  b1.reshape(1, D_HID))

    agg2 = _sc_aggregate(h1s, src, dst, zeros)
    w2p = jnp.pad(W2, ((0, 0), (0, _DOP - D_OUT)))
    b2p = jnp.pad(b2, (0, _DOP - D_OUT)).reshape(1, _DOP)
    out = _tc_mm2(agg2[:NPAD], agg2[NPAD:], h1s, dis, w2p, b2p)
    return out[:N, :D_OUT]

# --- scband reference (transcript-rebuilt; emitter-appended) ---
"""Pipeline reference for scband-gcnrelation-predictor-67894843015673 (READ-ONLY COPY).

The authoritative reference and input builder live on the scoring server;
editing this copy changes nothing except your own understanding.
"""

import jax, jax.numpy as jnp
import numpy as np

N = 10000
E = 320000
D_IN = 128
D_HID = 128
D_OUT = 237


def _gcn_conv(x, edge_index, W, b, num_nodes):
    # PyG GCNConv: add self-loops, symmetric normalization, linear, scatter-add, bias
    loop = jnp.arange(num_nodes, dtype=edge_index.dtype)
    src = jnp.concatenate([edge_index[0], loop])
    dst = jnp.concatenate([edge_index[1], loop])
    deg = jax.ops.segment_sum(jnp.ones_like(dst, dtype=x.dtype), dst, num_segments=num_nodes)
    deg_inv_sqrt = jnp.where(deg > 0, jax.lax.rsqrt(jnp.maximum(deg, 1e-12)), 0.0)
    norm = deg_inv_sqrt[src] * deg_inv_sqrt[dst]
    h = x @ W
    msg = h[src] * norm[:, None]
    out = jax.ops.segment_sum(msg, dst, num_segments=num_nodes)
    return out + b


def setup_inputs(seed: int = 0):
    key = jax.random.key(seed)
    k1, k2, k3, k4, k5, k6 = jax.random.split(key, 6)
    x = jax.random.normal(k1, (N, D_IN), dtype=jnp.float32)
    edge_index = jax.random.randint(k2, (2, E), 0, N)
    W1 = jax.random.normal(k3, (D_IN, D_HID), dtype=jnp.float32) * (1.0 / np.sqrt(D_IN))
    b1 = jnp.zeros((D_HID,), dtype=jnp.float32)
    W2 = jax.random.normal(k4, (D_HID, D_OUT), dtype=jnp.float32) * (1.0 / np.sqrt(D_HID))
    b2 = jnp.zeros((D_OUT,), dtype=jnp.float32)
    return {"x": x, "edge_index": edge_index, "W1": W1, "b1": b1, "W2": W2, "b2": b2}


def reference(x, edge_index, W1, b1, W2, b2):
    h = _gcn_conv(x, edge_index, W1, b1, N)
    h = jax.nn.relu(h)
    out = _gcn_conv(h, edge_index, W2, b2, N)
    return out

if __name__ == "__main__":
    import jax
    _d = setup_inputs()
    print(jax.jit(kernel)(*tuple(_d.values())))

</pallas_src>

<mosaic_0001>
#map = affine_map<(d0, d1) -> (0, 0, 0)>
#map1 = affine_map<(d0, d1) -> (0, 0)>
module attributes {stable_mosaic.version = 14 : i64} {
  func.func @_sc_count(%arg0: i32, %arg1: i32, %arg2: memref<32x96x128xi32, #tpu.memory_space<hbm>>, %arg3: memref<128x128xf32, #tpu.memory_space<hbm>>, %arg4: memref<10240x128xf32, #tpu.memory_space<hbm>>, %arg5: memref<20480x128xf32, #tpu.memory_space<hbm>>, %arg6: memref<96x128xi32, #tpu.memory_space<vmem>>, %arg7: memref<128x128xf32, #tpu.memory_space<vmem>>, %arg8: memref<10240x128xf32, #tpu.memory_space<vmem_shared>>) attributes {dimension_semantics = [#tpu.dimension_semantics<core_parallel>, #tpu.dimension_semantics<subcore_parallel>], iteration_bounds = array<i64: 2, 16>, scalar_prefetch = 0 : i64, scratch_operands = 3 : i64, tpu.core_type = #tpu.core_type<sc_vector_subcore>, window_params = [{transform_indices = #map}, {transform_indices = #map1}, {transform_indices = #map1}, {transform_indices = #map1}]} {
    %mul3A = arith.constant 2 : i32
    %mul3A_0 = arith.muli %arg1, %mul3A : i32
    %add3A = arith.addi %mul3A_0, %arg0 : i32
    "tpu.region"() ({
      %run_scoped3A = tpu.sem_alloc : memref<!tpu.dma_semaphore, #tpu.memory_space<semaphore_mem>>
      %dma_start3A = arith.constant 0 : i32
      %dma_start3A_18 = arith.constant 0 : i32
      %dma_start3A_19 = tpu.memref_slice %arg2[%add3A, %dma_start3A, %dma_start3A_18] : memref<32x96x128xi32, #tpu.memory_space<hbm>> -> memref<1x96x128xi32, #tpu.memory_space<hbm>>
      %dma_start3A_20 = tpu.memref_squeeze %dma_start3A_19 : memref<1x96x128xi32, #tpu.memory_space<hbm>> -> memref<96x128xi32, #tpu.memory_space<hbm>>
      %dma_start3A_21 = arith.constant 0 : i32
      %dma_start3A_22 = arith.constant 0 : i32
      %dma_start3A_23 = tpu.memref_slice %arg2[%add3A, %dma_start3A_21, %dma_start3A_22] : memref<32x96x128xi32, #tpu.memory_space<hbm>> -> memref<1x96x128xi32, #tpu.memory_space<hbm>>
      %dma_start3A_24 = tpu.memref_squeeze %dma_start3A_23 : memref<1x96x128xi32, #tpu.memory_space<hbm>> -> memref<96x128xi32, #tpu.memory_space<hbm>>
      tpu.enqueue_dma source(%dma_start3A_24 : memref<96x128xi32, #tpu.memory_space<hbm>>) target(%arg6 : memref<96x128xi32, #tpu.memory_space<vmem>>) target_semaphore(%run_scoped3A : memref<!tpu.dma_semaphore, #tpu.memory_space<semaphore_mem>>)
      %dma_wait3A = arith.constant 0 : i32
      %dma_wait3A_25 = arith.constant 0 : i32
      %dma_wait3A_26 = tpu.memref_slice %arg2[%add3A, %dma_wait3A, %dma_wait3A_25] : memref<32x96x128xi32, #tpu.memory_space<hbm>> -> memref<1x96x128xi32, #tpu.memory_space<hbm>>
      %dma_wait3A_27 = tpu.memref_squeeze %dma_wait3A_26 : memref<1x96x128xi32, #tpu.memory_space<hbm>> -> memref<96x128xi32, #tpu.memory_space<hbm>>
      %dma_wait3A_28 = arith.constant 0 : i32
      %dma_wait3A_29 = arith.constant 0 : i32
      %dma_wait3A_30 = tpu.memref_slice %arg2[%add3A, %dma_wait3A_28, %dma_wait3A_29] : memref<32x96x128xi32, #tpu.memory_space<hbm>> -> memref<1x96x128xi32, #tpu.memory_space<hbm>>
      %dma_wait3A_31 = tpu.memref_squeeze %dma_wait3A_30 : memref<1x96x128xi32, #tpu.memory_space<hbm>> -> memref<96x128xi32, #tpu.memory_space<hbm>>
      tpu.wait_dma2 semaphore(%run_scoped3A : memref<!tpu.dma_semaphore, #tpu.memory_space<semaphore_mem>>) src(%dma_wait3A_31 : memref<96x128xi32, #tpu.memory_space<hbm>>) dst(%arg6 : memref<96x128xi32, #tpu.memory_space<vmem>>)
      tpu.yield
    }) : () -> ()
    "tpu.region"() ({
      %run_scoped3A = tpu.sem_alloc : memref<!tpu.dma_semaphore, #tpu.memory_space<semaphore_mem>>
      tpu.enqueue_dma source(%arg3 : memref<128x128xf32, #tpu.memory_space<hbm>>) target(%arg7 : memref<128x128xf32, #tpu.memory_space<vmem>>) target_semaphore(%run_scoped3A : memref<!tpu.dma_semaphore, #tpu.memory_space<semaphore_mem>>)
      tpu.wait_dma2 semaphore(%run_scoped3A : memref<!tpu.dma_semaphore, #tpu.memory_space<semaphore_mem>>) src(%arg3 : memref<128x128xf32, #tpu.memory_space<hbm>>) dst(%arg7 : memref<128x128xf32, #tpu.memory_space<vmem>>)
      tpu.yield
    }) : () -> ()
    %mul3A_1 = arith.constant 640 : i32
    %mul3A_2 = arith.muli %arg1, %mul3A_1 : i32
    %mul3A_3 = arith.constant 640 : i32
    %mul3A_4 = arith.muli %arg1, %mul3A_3 : i32
    "tpu.region"() ({
      %run_scoped3A = tpu.sem_alloc : memref<!tpu.dma_semaphore, #tpu.memory_space<semaphore_mem>>
      %dma_start3A = arith.constant 0 : i32
      %dma_start3A_18 = tpu.memref_slice %arg8[%mul3A_4, %dma_start3A] : memref<10240x128xf32, #tpu.memory_space<vmem_shared>> -> memref<640x128xf32, #tpu.memory_space<vmem_shared>>
      %dma_start3A_19 = arith.constant 0 : i32
      %dma_start3A_20 = tpu.memref_slice %arg4[%mul3A_2, %dma_start3A_19] : memref<10240x128xf32, #tpu.memory_space<hbm>> -> memref<640x128xf32, #tpu.memory_space<hbm>>
      tpu.enqueue_dma source(%dma_start3A_20 : memref<640x128xf32, #tpu.memory_space<hbm>>) target(%dma_start3A_18 : memref<640x128xf32, #tpu.memory_space<vmem_shared>>) target_semaphore(%run_scoped3A : memref<!tpu.dma_semaphore, #tpu.memory_space<semaphore_mem>>)
      %dma_wait3A = arith.constant 0 : i32
      %dma_wait3A_21 = tpu.memref_slice %arg8[%mul3A_4, %dma_wait3A] : memref<10240x128xf32, #tpu.memory_space<vmem_shared>> -> memref<640x128xf32, #tpu.memory_space<vmem_shared>>
      %dma_wait3A_22 = arith.constant 0 : i32
      %dma_wait3A_23 = tpu.memref_slice %arg4[%mul3A_2, %dma_wait3A_22] : memref<10240x128xf32, #tpu.memory_space<hbm>> -> memref<640x128xf32, #tpu.memory_space<hbm>>
      tpu.wait_dma2 semaphore(%run_scoped3A : memref<!tpu.dma_semaphore, #tpu.memory_space<semaphore_mem>>) src(%dma_wait3A_23 : memref<640x128xf32, #tpu.memory_space<hbm>>) dst(%dma_wait3A_21 : memref<640x128xf32, #tpu.memory_space<vmem_shared>>)
      tpu.yield
    }) : () -> ()
    %barrier3A = arith.constant 0 : index
    tpu.barrier barrier_id(%barrier3A)
    %scan3A = arith.constant 0 : i32
    %scan3A_5 = arith.constant 0 : i32
    %scan3A_6 = arith.constant 96 : i32
    %scan3A_7 = arith.addi %scan3A_5, %scan3A_6 : i32
    %scan3A_8 = arith.constant 1 : i32
    scf.for %scan3A_18 = %scan3A_5 to %scan3A_7 step %scan3A_8  : i32 {
      "tpu.region"() ({
        %run_scoped3A = tpu.sem_alloc : memref<!tpu.dma_semaphore, #tpu.memory_space<semaphore_mem>>
        %dma_start3A = arith.constant 0 : i32
        %dma_start3A_19 = tpu.memref_slice %arg6[%scan3A_18, %dma_start3A] : memref<96x128xi32, #tpu.memory_space<vmem>> -> memref<1x128xi32, #tpu.memory_space<vmem>>
        %dma_start3A_20 = tpu.memref_squeeze %dma_start3A_19 : memref<1x128xi32, #tpu.memory_space<vmem>> -> memref<128xi32, #tpu.memory_space<vmem>>
        %dma_start3A_21 = arith.constant 0 : i32
        %dma_start3A_22 = arith.constant 0 : i32
        %dma_start3A_23 = tpu.memref_slice %arg8[%dma_start3A_21, %dma_start3A_22] : memref<10240x128xf32, #tpu.memory_space<vmem_shared>> -> memref<10240x128xf32, #tpu.memory_space<vmem_shared>>
        tpu.enqueue_indirect_dma source(%arg7 : memref<128x128xf32, #tpu.memory_space<vmem>>) target(%dma_start3A_23 : memref<10240x128xf32, #tpu.memory_space<vmem_shared>>) offsets(%dma_start3A_20 : memref<128xi32, #tpu.memory_space<vmem>>) semaphore(%run_scoped3A : memref<!tpu.dma_semaphore, #tpu.memory_space<semaphore_mem>>) {add = true}
        %dma_wait3A = arith.constant 0 : i32
        %dma_wait3A_24 = tpu.memref_slice %arg6[%scan3A_18, %dma_wait3A] : memref<96x128xi32, #tpu.memory_space<vmem>> -> memref<1x128xi32, #tpu.memory_space<vmem>>
        %dma_wait3A_25 = tpu.memref_squeeze %dma_wait3A_24 : memref<1x128xi32, #tpu.memory_space<vmem>> -> memref<128xi32, #tpu.memory_space<vmem>>
        %dma_wait3A_26 = arith.constant 0 : i32
        %dma_wait3A_27 = arith.constant 0 : i32
        %dma_wait3A_28 = tpu.memref_slice %arg8[%dma_wait3A_26, %dma_wait3A_27] : memref<10240x128xf32, #tpu.memory_space<vmem_shared>> -> memref<10240x128xf32, #tpu.memory_space<vmem_shared>>
        tpu.wait_indirect_dma semaphore(%run_scoped3A : memref<!tpu.dma_semaphore, #tpu.memory_space<semaphore_mem>>) src(%arg7 : memref<128x128xf32, #tpu.memory_space<vmem>>) dst(%dma_wait3A_28 : memref<10240x128xf32, #tpu.memory_space<vmem_shared>>)
        tpu.yield
      }) : () -> ()
    }
    %scan3A_9 = arith.constant 96 : i32
    %barrier3A_10 = arith.constant 0 : index
    tpu.barrier barrier_id(%barrier3A_10)
    %mul3A_11 = arith.constant 640 : i32
    %mul3A_12 = arith.muli %arg1, %mul3A_11 : i32
    %mul3A_13 = arith.constant 10240 : i32
    %mul3A_14 = arith.muli %arg0, %mul3A_13 : i32
    %mul3A_15 = arith.constant 640 : i32
    %mul3A_16 = arith.muli %arg1, %mul3A_15 : i32
    %add3A_17 = arith.addi %mul3A_14, %mul3A_16 : i32
    "tpu.region"() ({
      %run_scoped3A = tpu.sem_alloc : memref<!tpu.dma_semaphore, #tpu.memory_space<semaphore_mem>>
      %dma_start3A = arith.constant 0 : i32
      %dma_start3A_18 = tpu.memref_slice %arg5[%add3A_17, %dma_start3A] : memref<20480x128xf32, #tpu.memory_space<hbm>> -> memref<640x128xf32, #tpu.memory_space<hbm>>
      %dma_start3A_19 = arith.constant 0 : i32
      %dma_start3A_20 = tpu.memref_slice %arg8[%mul3A_12, %dma_start3A_19] : memref<10240x128xf32, #tpu.memory_space<vmem_shared>> -> memref<640x128xf32, #tpu.memory_space<vmem_shared>>
      tpu.enqueue_dma source(%dma_start3A_20 : memref<640x128xf32, #tpu.memory_space<vmem_shared>>) target(%dma_start3A_18 : memref<640x128xf32, #tpu.memory_space<hbm>>) target_semaphore(%run_scoped3A : memref<!tpu.dma_semaphore, #tpu.memory_space<semaphore_mem>>)
      %dma_wait3A = arith.constant 0 : i32
      %dma_wait3A_21 = tpu.memref_slice %arg5[%add3A_17, %dma_wait3A] : memref<20480x128xf32, #tpu.memory_space<hbm>> -> memref<640x128xf32, #tpu.memory_space<hbm>>
      %dma_wait3A_22 = arith.constant 0 : i32
      %dma_wait3A_23 = tpu.memref_slice %arg8[%mul3A_12, %dma_wait3A_22] : memref<10240x128xf32, #tpu.memory_space<vmem_shared>> -> memref<640x128xf32, #tpu.memory_space<vmem_shared>>
      tpu.wait_dma2 semaphore(%run_scoped3A : memref<!tpu.dma_semaphore, #tpu.memory_space<semaphore_mem>>) src(%dma_wait3A_23 : memref<640x128xf32, #tpu.memory_space<vmem_shared>>) dst(%dma_wait3A_21 : memref<640x128xf32, #tpu.memory_space<hbm>>)
      tpu.yield
    }) : () -> ()
    return
  }
}

#map = affine_map<(d0, d1) -> (0, 0)>
#map1 = affine_map<(d0, d1) -> (0, 0, 0)>
module attributes {stable_mosaic.version = 14 : i64} {
  func.func @_sc_aggregate(%arg0: i32, %arg1: i32, %arg2: memref<10240x128xf32, #tpu.memory_space<hbm>>, %arg3: memref<32x96x128xi32, #tpu.memory_space<hbm>>, %arg4: memref<32x96x128xi32, #tpu.memory_space<hbm>>, %arg5: memref<10240x128xf32, #tpu.memory_space<hbm>>, %arg6: memref<20480x128xf32, #tpu.memory_space<hbm>>, %arg7: memref<48x128xi32, #tpu.memory_space<vmem>>, %arg8: memref<48x128xi32, #tpu.memory_space<vmem>>, %arg9: memref<128x128xf32, #tpu.memory_space<vmem>>, %arg10: memref<128x128xf32, #tpu.memory_space<vmem>>, %arg11: memref<10240x128xf32, #tpu.memory_space<vmem_shared>>, %arg12: memref<!tpu.dma_semaphore, #tpu.memory_space<semaphore_mem>>, %arg13: memref<!tpu.dma_semaphore, #tpu.memory_space<semaphore_mem>>) attributes {dimension_semantics = [#tpu.dimension_semantics<core_parallel>, #tpu.dimension_semantics<subcore_parallel>], iteration_bounds = array<i64: 2, 16>, scalar_prefetch = 0 : i64, scratch_operands = 7 : i64, tpu.core_type = #tpu.core_type<sc_vector_subcore>, window_params = [{transform_indices = #map}, {transform_indices = #map1}, {transform_indices = #map1}, {transform_indices = #map}, {transform_indices = #map}]} {
    %mul3A = arith.constant 2 : i32
    %mul3A_0 = arith.muli %arg1, %mul3A : i32
    %add3A = arith.addi %mul3A_0, %arg0 : i32
    %mul3A_1 = arith.constant 640 : i32
    %mul3A_2 = arith.muli %arg1, %mul3A_1 : i32
    %mul3A_3 = arith.constant 640 : i32
    %mul3A_4 = arith.muli %arg1, %mul3A_3 : i32
    "tpu.region"() ({
      %run_scoped3A = tpu.sem_alloc : memref<!tpu.dma_semaphore, #tpu.memory_space<semaphore_mem>>
      %dma_start3A = arith.constant 0 : i32
      %dma_start3A_18 = tpu.memref_slice %arg11[%mul3A_4, %dma_start3A] : memref<10240x128xf32, #tpu.memory_space<vmem_shared>> -> memref<640x128xf32, #tpu.memory_space<vmem_shared>>
      %dma_start3A_19 = arith.constant 0 : i32
      %dma_start3A_20 = tpu.memref_slice %arg5[%mul3A_2, %dma_start3A_19] : memref<10240x128xf32, #tpu.memory_space<hbm>> -> memref<640x128xf32, #tpu.memory_space<hbm>>
      tpu.enqueue_dma source(%dma_start3A_20 : memref<640x128xf32, #tpu.memory_space<hbm>>) target(%dma_start3A_18 : memref<640x128xf32, #tpu.memory_space<vmem_shared>>) target_semaphore(%run_scoped3A : memref<!tpu.dma_semaphore, #tpu.memory_space<semaphore_mem>>)
      %dma_wait3A = arith.constant 0 : i32
      %dma_wait3A_21 = tpu.memref_slice %arg11[%mul3A_4, %dma_wait3A] : memref<10240x128xf32, #tpu.memory_space<vmem_shared>> -> memref<640x128xf32, #tpu.memory_space<vmem_shared>>
      %dma_wait3A_22 = arith.constant 0 : i32
      %dma_wait3A_23 = tpu.memref_slice %arg5[%mul3A_2, %dma_wait3A_22] : memref<10240x128xf32, #tpu.memory_space<hbm>> -> memref<640x128xf32, #tpu.memory_space<hbm>>
      tpu.wait_dma2 semaphore(%run_scoped3A : memref<!tpu.dma_semaphore, #tpu.memory_space<semaphore_mem>>) src(%dma_wait3A_23 : memref<640x128xf32, #tpu.memory_space<hbm>>) dst(%dma_wait3A_21 : memref<640x128xf32, #tpu.memory_space<vmem_shared>>)
      tpu.yield
    }) : () -> ()
    %barrier3A = arith.constant 0 : index
    tpu.barrier barrier_id(%barrier3A)
    %scan3A = arith.constant 0 : i32
    %scan3A_5 = arith.constant 0 : i32
    %scan3A_6 = arith.constant 2 : i32
    %scan3A_7 = arith.addi %scan3A_5, %scan3A_6 : i32
    %scan3A_8 = arith.constant 1 : i32
    scf.for %scan3A_18 = %scan3A_5 to %scan3A_7 step %scan3A_8  : i32 {
      %mul3A_19 = arith.constant 48 : i32
      %mul3A_20 = arith.muli %scan3A_18, %mul3A_19 : i32
      "tpu.region"() ({
        %run_scoped3A = tpu.sem_alloc : memref<!tpu.dma_semaphore, #tpu.memory_space<semaphore_mem>>
        %dma_start3A = arith.constant 0 : i32
        %dma_start3A_29 = tpu.memref_slice %arg3[%add3A, %mul3A_20, %dma_start3A] : memref<32x96x128xi32, #tpu.memory_space<hbm>> -> memref<1x48x128xi32, #tpu.memory_space<hbm>>
        %dma_start3A_30 = tpu.memref_squeeze %dma_start3A_29 : memref<1x48x128xi32, #tpu.memory_space<hbm>> -> memref<48x128xi32, #tpu.memory_space<hbm>>
        %dma_start3A_31 = arith.constant 0 : i32
        %dma_start3A_32 = tpu.memref_slice %arg3[%add3A, %mul3A_20, %dma_start3A_31] : memref<32x96x128xi32, #tpu.memory_space<hbm>> -> memref<1x48x128xi32, #tpu.memory_space<hbm>>
        %dma_start3A_33 = tpu.memref_squeeze %dma_start3A_32 : memref<1x48x128xi32, #tpu.memory_space<hbm>> -> memref<48x128xi32, #tpu.memory_space<hbm>>
        tpu.enqueue_dma source(%dma_start3A_33 : memref<48x128xi32, #tpu.memory_space<hbm>>) target(%arg7 : memref<48x128xi32, #tpu.memory_space<vmem>>) target_semaphore(%run_scoped3A : memref<!tpu.dma_semaphore, #tpu.memory_space<semaphore_mem>>)
        %dma_wait3A = arith.constant 0 : i32
        %dma_wait3A_34 = tpu.memref_slice %arg3[%add3A, %mul3A_20, %dma_wait3A] : memref<32x96x128xi32, #tpu.memory_space<hbm>> -> memref<1x48x128xi32, #tpu.memory_space<hbm>>
        %dma_wait3A_35 = tpu.memref_squeeze %dma_wait3A_34 : memref<1x48x128xi32, #tpu.memory_space<hbm>> -> memref<48x128xi32, #tpu.memory_space<hbm>>
        %dma_wait3A_36 = arith.constant 0 : i32
        %dma_wait3A_37 = tpu.memref_slice %arg3[%add3A, %mul3A_20, %dma_wait3A_36] : memref<32x96x128xi32, #tpu.memory_space<hbm>> -> memref<1x48x128xi32, #tpu.memory_space<hbm>>
        %dma_wait3A_38 = tpu.memref_squeeze %dma_wait3A_37 : memref<1x48x128xi32, #tpu.memory_space<hbm>> -> memref<48x128xi32, #tpu.memory_space<hbm>>
        tpu.wait_dma2 semaphore(%run_scoped3A : memref<!tpu.dma_semaphore, #tpu.memory_space<semaphore_mem>>) src(%dma_wait3A_38 : memref<48x128xi32, #tpu.memory_space<hbm>>) dst(%arg7 : memref<48x128xi32, #tpu.memory_space<vmem>>)
        tpu.yield
      }) : () -> ()
      %mul3A_21 = arith.constant 48 : i32
      %mul3A_22 = arith.muli %scan3A_18, %mul3A_21 : i32
      "tpu.region"() ({
        %run_scoped3A = tpu.sem_alloc : memref<!tpu.dma_semaphore, #tpu.memory_space<semaphore_mem>>
        %dma_start3A = arith.constant 0 : i32
        %dma_start3A_29 = tpu.memref_slice %arg4[%add3A, %mul3A_22, %dma_start3A] : memref<32x96x128xi32, #tpu.memory_space<hbm>> -> memref<1x48x128xi32, #tpu.memory_space<hbm>>
        %dma_start3A_30 = tpu.memref_squeeze %dma_start3A_29 : memref<1x48x128xi32, #tpu.memory_space<hbm>> -> memref<48x128xi32, #tpu.memory_space<hbm>>
        %dma_start3A_31 = arith.constant 0 : i32
        %dma_start3A_32 = tpu.memref_slice %arg4[%add3A, %mul3A_22, %dma_start3A_31] : memref<32x96x128xi32, #tpu.memory_space<hbm>> -> memref<1x48x128xi32, #tpu.memory_space<hbm>>
        %dma_start3A_33 = tpu.memref_squeeze %dma_start3A_32 : memref<1x48x128xi32, #tpu.memory_space<hbm>> -> memref<48x128xi32, #tpu.memory_space<hbm>>
        tpu.enqueue_dma source(%dma_start3A_33 : memref<48x128xi32, #tpu.memory_space<hbm>>) target(%arg8 : memref<48x128xi32, #tpu.memory_space<vmem>>) target_semaphore(%run_scoped3A : memref<!tpu.dma_semaphore, #tpu.memory_space<semaphore_mem>>)
        %dma_wait3A = arith.constant 0 : i32
        %dma_wait3A_34 = tpu.memref_slice %arg4[%add3A, %mul3A_22, %dma_wait3A] : memref<32x96x128xi32, #tpu.memory_space<hbm>> -> memref<1x48x128xi32, #tpu.memory_space<hbm>>
        %dma_wait3A_35 = tpu.memref_squeeze %dma_wait3A_34 : memref<1x48x128xi32, #tpu.memory_space<hbm>> -> memref<48x128xi32, #tpu.memory_space<hbm>>
        %dma_wait3A_36 = arith.constant 0 : i32
        %dma_wait3A_37 = tpu.memref_slice %arg4[%add3A, %mul3A_22, %dma_wait3A_36] : memref<32x96x128xi32, #tpu.memory_space<hbm>> -> memref<1x48x128xi32, #tpu.memory_space<hbm>>
        %dma_wait3A_38 = tpu.memref_squeeze %dma_wait3A_37 : memref<1x48x128xi32, #tpu.memory_space<hbm>> -> memref<48x128xi32, #tpu.memory_space<hbm>>
        tpu.wait_dma2 semaphore(%run_scoped3A : memref<!tpu.dma_semaphore, #tpu.memory_space<semaphore_mem>>) src(%dma_wait3A_38 : memref<48x128xi32, #tpu.memory_space<hbm>>) dst(%arg8 : memref<48x128xi32, #tpu.memory_space<vmem>>)
        tpu.yield
      }) : () -> ()
      %scan3A_23 = arith.constant 0 : i32
      %scan3A_24 = arith.constant 0 : i32
      %scan3A_25 = arith.constant 5 : i32
      %scan3A_26 = arith.addi %scan3A_24, %scan3A_25 : i32
      %scan3A_27 = arith.constant 1 : i32
      scf.for %scan3A_29 = %scan3A_24 to %scan3A_26 step %scan3A_27  : i32 {
        %mul3A_30 = arith.constant 8 : i32
        %mul3A_31 = arith.muli %mul3A_30, %scan3A_29 : i32
        %add3A_32 = arith.constant 0 : i32
        %add3A_33 = arith.addi %mul3A_31, %add3A_32 : i32
        %dma_start3A = arith.constant 0 : i32
        %dma_start3A_34 = tpu.memref_slice %arg7[%add3A_33, %dma_start3A] : memref<48x128xi32, #tpu.memory_space<vmem>> -> memref<1x128xi32, #tpu.memory_space<vmem>>
        %dma_start3A_35 = tpu.memref_squeeze %dma_start3A_34 : memref<1x128xi32, #tpu.memory_space<vmem>> -> memref<128xi32, #tpu.memory_space<vmem>>
        %dma_start3A_36 = arith.constant 0 : i32
        %dma_start3A_37 = arith.constant 0 : i32
        %dma_start3A_38 = tpu.memref_slice %arg2[%dma_start3A_36, %dma_start3A_37] : memref<10240x128xf32, #tpu.memory_space<hbm>> -> memref<10240x128xf32, #tpu.memory_space<hbm>>
        tpu.enqueue_indirect_dma source(%dma_start3A_38 : memref<10240x128xf32, #tpu.memory_space<hbm>>) target(%arg9 : memref<128x128xf32, #tpu.memory_space<vmem>>) offsets(%dma_start3A_35 : memref<128xi32, #tpu.memory_space<vmem>>) semaphore(%arg12 : memref<!tpu.dma_semaphore, #tpu.memory_space<semaphore_mem>>)
        %add3A_39 = arith.constant 1 : i32
        %add3A_40 = arith.addi %mul3A_31, %add3A_39 : i32
        %dma_start3A_41 = arith.constant 0 : i32
        %dma_start3A_42 = tpu.memref_slice %arg7[%add3A_40, %dma_start3A_41] : memref<48x128xi32, #tpu.memory_space<vmem>> -> memref<1x128xi32, #tpu.memory_space<vmem>>
        %dma_start3A_43 = tpu.memref_squeeze %dma_start3A_42 : memref<1x128xi32, #tpu.memory_space<vmem>> -> memref<128xi32, #tpu.memory_space<vmem>>
        %dma_start3A_44 = arith.constant 0 : i32
        %dma_start3A_45 = arith.constant 0 : i32
        %dma_start3A_46 = tpu.memref_slice %arg2[%dma_start3A_44, %dma_start3A_45] : memref<10240x128xf32, #tpu.memory_space<hbm>> -> memref<10240x128xf32, #tpu.memory_space<hbm>>
        tpu.enqueue_indirect_dma source(%dma_start3A_46 : memref<10240x128xf32, #tpu.memory_space<hbm>>) target(%arg10 : memref<128x128xf32, #tpu.memory_space<vmem>>) offsets(%dma_start3A_43 : memref<128xi32, #tpu.memory_space<vmem>>) semaphore(%arg13 : memref<!tpu.dma_semaphore, #tpu.memory_space<semaphore_mem>>)
        %dma_wait3A = arith.constant 0 : i32
        %dma_wait3A_47 = tpu.memref_slice %arg7[%add3A_33, %dma_wait3A] : memref<48x128xi32, #tpu.memory_space<vmem>> -> memref<1x128xi32, #tpu.memory_space<vmem>>
        %dma_wait3A_48 = tpu.memref_squeeze %dma_wait3A_47 : memref<1x128xi32, #tpu.memory_space<vmem>> -> memref<128xi32, #tpu.memory_space<vmem>>
        %dma_wait3A_49 = arith.constant 0 : i32
        %dma_wait3A_50 = arith.constant 0 : i32
        %dma_wait3A_51 = tpu.memref_slice %arg2[%dma_wait3A_49, %dma_wait3A_50] : memref<10240x128xf32, #tpu.memory_space<hbm>> -> memref<10240x128xf32, #tpu.memory_space<hbm>>
        tpu.wait_indirect_dma semaphore(%arg12 : memref<!tpu.dma_semaphore, #tpu.memory_space<semaphore_mem>>) src(%dma_wait3A_51 : memref<10240x128xf32, #tpu.memory_space<hbm>>) dst(%arg9 : memref<128x128xf32, #tpu.memory_space<vmem>>)
        %add3A_52 = arith.constant 2 : i32
        %add3A_53 = arith.addi %mul3A_31, %add3A_52 : i32
        %sub3A = arith.constant 2 : i32
        %sub3A_54 = arith.subi %add3A_53, %sub3A : i32
        "tpu.region"() ({
          %run_scoped3A = tpu.sem_alloc : memref<!tpu.dma_semaphore, #tpu.memory_space<semaphore_mem>>
          %dma_start3A_169 = arith.constant 0 : i32
          %dma_start3A_170 = tpu.memref_slice %arg8[%sub3A_54, %dma_start3A_169] : memref<48x128xi32, #tpu.memory_space<vmem>> -> memref<1x128xi32, #tpu.memory_space<vmem>>
          %dma_start3A_171 = tpu.memref_squeeze %dma_start3A_170 : memref<1x128xi32, #tpu.memory_space<vmem>> -> memref<128xi32, #tpu.memory_space<vmem>>
          %dma_start3A_172 = arith.constant 0 : i32
          %dma_start3A_173 = arith.constant 0 : i32
          %dma_start3A_174 = tpu.memref_slice %arg11[%dma_start3A_172, %dma_start3A_173] : memref<10240x128xf32, #tpu.memory_space<vmem_shared>> -> memref<10240x128xf32, #tpu.memory_space<vmem_shared>>
          tpu.enqueue_indirect_dma source(%arg9 : memref<128x128xf32, #tpu.memory_space<vmem>>) target(%dma_start3A_174 : memref<10240x128xf32, #tpu.memory_space<vmem_shared>>) offsets(%dma_start3A_171 : memref<128xi32, #tpu.memory_space<vmem>>) semaphore(%run_scoped3A : memref<!tpu.dma_semaphore, #tpu.memory_space<semaphore_mem>>) {add = true}
          %dma_wait3A_175 = arith.constant 0 : i32
          %dma_wait3A_176 = tpu.memref_slice %arg8[%sub3A_54, %dma_wait3A_175] : memref<48x128xi32, #tpu.memory_space<vmem>> -> memref<1x128xi32, #tpu.memory_space<vmem>>
          %dma_wait3A_177 = tpu.memref_squeeze %dma_wait3A_176 : memref<1x128xi32, #tpu.memory_space<vmem>> -> memref<128xi32, #tpu.memory_space<vmem>>
          %dma_wait3A_178 = arith.constant 0 : i32
          %dma_wait3A_179 = arith.constant 0 : i32
          %dma_wait3A_180 = tpu.memref_slice %arg11[%dma_wait3A_178, %dma_wait3A_179] : memref<10240x128xf32, #tpu.memory_space<vmem_shared>> -> memref<10240x128xf32, #tpu.memory_space<vmem_shared>>
          tpu.wait_indirect_dma semaphore(%run_scoped3A : memref<!tpu.dma_semaphore, #tpu.memory_space<semaphore_mem>>) src(%arg9 : memref<128x128xf32, #tpu.memory_space<vmem>>) dst(%dma_wait3A_180 : memref<10240x128xf32, #tpu.memory_space<vmem_shared>>)
          tpu.yield
        }) : () -> ()
        %add3A_55 = arith.constant 2 : i32
        %add3A_56 = arith.addi %mul3A_31, %add3A_55 : i32
        %dma_start3A_57 = arith.constant 0 : i32
        %dma_start3A_58 = tpu.memref_slice %arg7[%add3A_56, %dma_start3A_57] : memref<48x128xi32, #tpu.memory_space<vmem>> -> memref<1x128xi32, #tpu.memory_space<vmem>>
        %dma_start3A_59 = tpu.memref_squeeze %dma_start3A_58 : memref<1x128xi32, #tpu.memory_space<vmem>> -> memref<128xi32, #tpu.memory_space<vmem>>
        %dma_start3A_60 = arith.constant 0 : i32
        %dma_start3A_61 = arith.constant 0 : i32
        %dma_start3A_62 = tpu.memref_slice %arg2[%dma_start3A_60, %dma_start3A_61] : memref<10240x128xf32, #tpu.memory_space<hbm>> -> memref<10240x128xf32, #tpu.memory_space<hbm>>
        tpu.enqueue_indirect_dma source(%dma_start3A_62 : memref<10240x128xf32, #tpu.memory_space<hbm>>) target(%arg9 : memref<128x128xf32, #tpu.memory_space<vmem>>) offsets(%dma_start3A_59 : memref<128xi32, #tpu.memory_space<vmem>>) semaphore(%arg12 : memref<!tpu.dma_semaphore, #tpu.memory_space<semaphore_mem>>)
        %dma_wait3A_63 = arith.constant 0 : i32
        %dma_wait3A_64 = tpu.memref_slice %arg7[%add3A_40, %dma_wait3A_63] : memref<48x128xi32, #tpu.memory_space<vmem>> -> memref<1x128xi32, #tpu.memory_space<vmem>>
        %dma_wait3A_65 = tpu.memref_squeeze %dma_wait3A_64 : memref<1x128xi32, #tpu.memory_space<vmem>> -> memref<128xi32, #tpu.memory_space<vmem>>
        %dma_wait3A_66 = arith.constant 0 : i32
        %dma_wait3A_67 = arith.constant 0 : i32
        %dma_wait3A_68 = tpu.memref_slice %arg2[%dma_wait3A_66, %dma_wait3A_67] : memref<10240x128xf32, #tpu.memory_space<hbm>> -> memref<10240x128xf32, #tpu.memory_space<hbm>>
        tpu.wait_indirect_dma semaphore(%arg13 : memref<!tpu.dma_semaphore, #tpu.memory_space<semaphore_mem>>) src(%dma_wait3A_68 : memref<10240x128xf32, #tpu.memory_space<hbm>>) dst(%arg10 : memref<128x128xf32, #tpu.memory_space<vmem>>)
        %add3A_69 = arith.constant 3 : i32
        %add3A_70 = arith.addi %mul3A_31, %add3A_69 : i32
        %sub3A_71 = arith.constant 2 : i32
        %sub3A_72 = arith.subi %add3A_70, %sub3A_71 : i32
        "tpu.region"() ({
          %run_scoped3A = tpu.sem_alloc : memref<!tpu.dma_semaphore, #tpu.memory_space<semaphore_mem>>
          %dma_start3A_169 = arith.constant 0 : i32
          %dma_start3A_170 = tpu.memref_slice %arg8[%sub3A_72, %dma_start3A_169] : memref<48x128xi32, #tpu.memory_space<vmem>> -> memref<1x128xi32, #tpu.memory_space<vmem>>
          %dma_start3A_171 = tpu.memref_squeeze %dma_start3A_170 : memref<1x128xi32, #tpu.memory_space<vmem>> -> memref<128xi32, #tpu.memory_space<vmem>>
          %dma_start3A_172 = arith.constant 0 : i32
          %dma_start3A_173 = arith.constant 0 : i32
          %dma_start3A_174 = tpu.memref_slice %arg11[%dma_start3A_172, %dma_start3A_173] : memref<10240x128xf32, #tpu.memory_space<vmem_shared>> -> memref<10240x128xf32, #tpu.memory_space<vmem_shared>>
          tpu.enqueue_indirect_dma source(%arg10 : memref<128x128xf32, #tpu.memory_space<vmem>>) target(%dma_start3A_174 : memref<10240x128xf32, #tpu.memory_space<vmem_shared>>) offsets(%dma_start3A_171 : memref<128xi32, #tpu.memory_space<vmem>>) semaphore(%run_scoped3A : memref<!tpu.dma_semaphore, #tpu.memory_space<semaphore_mem>>) {add = true}
          %dma_wait3A_175 = arith.constant 0 : i32
          %dma_wait3A_176 = tpu.memref_slice %arg8[%sub3A_72, %dma_wait3A_175] : memref<48x128xi32, #tpu.memory_space<vmem>> -> memref<1x128xi32, #tpu.memory_space<vmem>>
          %dma_wait3A_177 = tpu.memref_squeeze %dma_wait3A_176 : memref<1x128xi32, #tpu.memory_space<vmem>> -> memref<128xi32, #tpu.memory_space<vmem>>
          %dma_wait3A_178 = arith.constant 0 : i32
          %dma_wait3A_179 = arith.constant 0 : i32
          %dma_wait3A_180 = tpu.memref_slice %arg11[%dma_wait3A_178, %dma_wait3A_179] : memref<10240x128xf32, #tpu.memory_space<vmem_shared>> -> memref<10240x128xf32, #tpu.memory_space<vmem_shared>>
          tpu.wait_indirect_dma semaphore(%run_scoped3A : memref<!tpu.dma_semaphore, #tpu.memory_space<semaphore_mem>>) src(%arg10 : memref<128x128xf32, #tpu.memory_space<vmem>>) dst(%dma_wait3A_180 : memref<10240x128xf32, #tpu.memory_space<vmem_shared>>)
          tpu.yield
        }) : () -> ()
        %add3A_73 = arith.constant 3 : i32
        %add3A_74 = arith.addi %mul3A_31, %add3A_73 : i32
        %dma_start3A_75 = arith.constant 0 : i32
        %dma_start3A_76 = tpu.memref_slice %arg7[%add3A_74, %dma_start3A_75] : memref<48x128xi32, #tpu.memory_space<vmem>> -> memref<1x128xi32, #tpu.memory_space<vmem>>
        %dma_start3A_77 = tpu.memref_squeeze %dma_start3A_76 : memref<1x128xi32, #tpu.memory_space<vmem>> -> memref<128xi32, #tpu.memory_space<vmem>>
        %dma_start3A_78 = arith.constant 0 : i32
        %dma_start3A_79 = arith.constant 0 : i32
        %dma_start3A_80 = tpu.memref_slice %arg2[%dma_start3A_78, %dma_start3A_79] : memref<10240x128xf32, #tpu.memory_space<hbm>> -> memref<10240x128xf32, #tpu.memory_space<hbm>>
        tpu.enqueue_indirect_dma source(%dma_start3A_80 : memref<10240x128xf32, #tpu.memory_space<hbm>>) target(%arg10 : memref<128x128xf32, #tpu.memory_space<vmem>>) offsets(%dma_start3A_77 : memref<128xi32, #tpu.memory_space<vmem>>) semaphore(%arg13 : memref<!tpu.dma_semaphore, #tpu.memory_space<semaphore_mem>>)
        %dma_wait3A_81 = arith.constant 0 : i32
        %dma_wait3A_82 = tpu.memref_slice %arg7[%add3A_56, %dma_wait3A_81] : memref<48x128xi32, #tpu.memory_space<vmem>> -> memref<1x128xi32, #tpu.memory_space<vmem>>
        %dma_wait3A_83 = tpu.memref_squeeze %dma_wait3A_82 : memref<1x128xi32, #tpu.memory_space<vmem>> -> memref<128xi32, #tpu.memory_space<vmem>>
        %dma_wait3A_84 = arith.constant 0 : i32
        %dma_wait3A_85 = arith.constant 0 : i32
        %dma_wait3A_86 = tpu.memref_slice %arg2[%dma_wait3A_84, %dma_wait3A_85] : memref<10240x128xf32, #tpu.memory_space<hbm>> -> memref<10240x128xf32, #tpu.memory_space<hbm>>
        tpu.wait_indirect_dma semaphore(%arg12 : memref<!tpu.dma_semaphore, #tpu.memory_space<semaphore_mem>>) src(%dma_wait3A_86 : memref<10240x128xf32, #tpu.memory_space<hbm>>) dst(%arg9 : memref<128x128xf32, #tpu.memory_space<vmem>>)
        %add3A_87 = arith.constant 4 : i32
        %add3A_88 = arith.addi %mul3A_31, %add3A_87 : i32
        %sub3A_89 = arith.constant 2 : i32
        %sub3A_90 = arith.subi %add3A_88, %sub3A_89 : i32
        "tpu.region"() ({
          %run_scoped3A = tpu.sem_alloc : memref<!tpu.dma_semaphore, #tpu.memory_space<semaphore_mem>>
          %dma_start3A_169 = arith.constant 0 : i32
          %dma_start3A_170 = tpu.memref_slice %arg8[%sub3A_90, %dma_start3A_169] : memref<48x128xi32, #tpu.memory_space<vmem>> -> memref<1x128xi32, #tpu.memory_space<vmem>>
          %dma_start3A_171 = tpu.memref_squeeze %dma_start3A_170 : memref<1x128xi32, #tpu.memory_space<vmem>> -> memref<128xi32, #tpu.memory_space<vmem>>
          %dma_start3A_172 = arith.constant 0 : i32
          %dma_start3A_173 = arith.constant 0 : i32
          %dma_start3A_174 = tpu.memref_slice %arg11[%dma_start3A_172, %dma_start3A_173] : memref<10240x128xf32, #tpu.memory_space<vmem_shared>> -> memref<10240x128xf32, #tpu.memory_space<vmem_shared>>
          tpu.enqueue_indirect_dma source(%arg9 : memref<128x128xf32, #tpu.memory_space<vmem>>) target(%dma_start3A_174 : memref<10240x128xf32, #tpu.memory_space<vmem_shared>>) offsets(%dma_start3A_171 : memref<128xi32, #tpu.memory_space<vmem>>) semaphore(%run_scoped3A : memref<!tpu.dma_semaphore, #tpu.memory_space<semaphore_mem>>) {add = true}
          %dma_wait3A_175 = arith.constant 0 : i32
          %dma_wait3A_176 = tpu.memref_slice %arg8[%sub3A_90, %dma_wait3A_175] : memref<48x128xi32, #tpu.memory_space<vmem>> -> memref<1x128xi32, #tpu.memory_space<vmem>>
          %dma_wait3A_177 = tpu.memref_squeeze %dma_wait3A_176 : memref<1x128xi32, #tpu.memory_space<vmem>> -> memref<128xi32, #tpu.memory_space<vmem>>
          %dma_wait3A_178 = arith.constant 0 : i32
          %dma_wait3A_179 = arith.constant 0 : i32
          %dma_wait3A_180 = tpu.memref_slice %arg11[%dma_wait3A_178, %dma_wait3A_179] : memref<10240x128xf32, #tpu.memory_space<vmem_shared>> -> memref<10240x128xf32, #tpu.memory_space<vmem_shared>>
          tpu.wait_indirect_dma semaphore(%run_scoped3A : memref<!tpu.dma_semaphore, #tpu.memory_space<semaphore_mem>>) src(%arg9 : memref<128x128xf32, #tpu.memory_space<vmem>>) dst(%dma_wait3A_180 : memref<10240x128xf32, #tpu.memory_space<vmem_shared>>)
          tpu.yield
        }) : () -> ()
        %add3A_91 = arith.constant 4 : i32
        %add3A_92 = arith.addi %mul3A_31, %add3A_91 : i32
        %dma_start3A_93 = arith.constant 0 : i32
        %dma_start3A_94 = tpu.memref_slice %arg7[%add3A_92, %dma_start3A_93] : memref<48x128xi32, #tpu.memory_space<vmem>> -> memref<1x128xi32, #tpu.memory_space<vmem>>
        %dma_start3A_95 = tpu.memref_squeeze %dma_start3A_94 : memref<1x128xi32, #tpu.memory_space<vmem>> -> memref<128xi32, #tpu.memory_space<vmem>>
        %dma_start3A_96 = arith.constant 0 : i32
        %dma_start3A_97 = arith.constant 0 : i32
        %dma_start3A_98 = tpu.memref_slice %arg2[%dma_start3A_96, %dma_start3A_97] : memref<10240x128xf32, #tpu.memory_space<hbm>> -> memref<10240x128xf32, #tpu.memory_space<hbm>>
        tpu.enqueue_indirect_dma source(%dma_start3A_98 : memref<10240x128xf32, #tpu.memory_space<hbm>>) target(%arg9 : memref<128x128xf32, #tpu.memory_space<vmem>>) offsets(%dma_start3A_95 : memref<128xi32, #tpu.memory_space<vmem>>) semaphore(%arg12 : memref<!tpu.dma_semaphore, #tpu.memory_space<semaphore_mem>>)
        %dma_wait3A_99 = arith.constant 0 : i32
        %dma_wait3A_100 = tpu.memref_slice %arg7[%add3A_74, %dma_wait3A_99] : memref<48x128xi32, #tpu.memory_space<vmem>> -> memref<1x128xi32, #tpu.memory_space<vmem>>
        %dma_wait3A_101 = tpu.memref_squeeze %dma_wait3A_100 : memref<1x128xi32, #tpu.memory_space<vmem>> -> memref<128xi32, #tpu.memory_space<vmem>>
        %dma_wait3A_102 = arith.constant 0 : i32
        %dma_wait3A_103 = arith.constant 0 : i32
        %dma_wait3A_104 = tpu.memref_slice %arg2[%dma_wait3A_102, %dma_wait3A_103] : memref<10240x128xf32, #tpu.memory_space<hbm>> -> memref<10240x128xf32, #tpu.memory_space<hbm>>
        tpu.wait_indirect_dma semaphore(%arg13 : memref<!tpu.dma_semaphore, #tpu.memory_space<semaphore_mem>>) src(%dma_wait3A_104 : memref<10240x128xf32, #tpu.memory_space<hbm>>) dst(%arg10 : memref<128x128xf32, #tpu.memory_space<vmem>>)
        %add3A_105 = arith.constant 5 : i32
        %add3A_106 = arith.addi %mul3A_31, %add3A_105 : i32
        %sub3A_107 = arith.constant 2 : i32
        %sub3A_108 = arith.subi %add3A_106, %sub3A_107 : i32
        "tpu.region"() ({
          %run_scoped3A = tpu.sem_alloc : memref<!tpu.dma_semaphore, #tpu.memory_space<semaphore_mem>>
          %dma_start3A_169 = arith.constant 0 : i32
          %dma_start3A_170 = tpu.memref_slice %arg8[%sub3A_108, %dma_start3A_169] : memref<48x128xi32, #tpu.memory_space<vmem>> -> memref<1x128xi32, #tpu.memory_space<vmem>>
          %dma_start3A_171 = tpu.memref_squeeze %dma_start3A_170 : memref<1x128xi32, #tpu.memory_space<vmem>> -> memref<128xi32, #tpu.memory_space<vmem>>
          %dma_start3A_172 = arith.constant 0 : i32
          %dma_start3A_173 = arith.constant 0 : i32
          %dma_start3A_174 = tpu.memref_slice %arg11[%dma_start3A_172, %dma_start3A_173] : memref<10240x128xf32, #tpu.memory_space<vmem_shared>> -> memref<10240x128xf32, #tpu.memory_space<vmem_shared>>
          tpu.enqueue_indirect_dma source(%arg10 : memref<128x128xf32, #tpu.memory_space<vmem>>) target(%dma_start3A_174 : memref<10240x128xf32, #tpu.memory_space<vmem_shared>>) offsets(%dma_start3A_171 : memref<128xi32, #tpu.memory_space<vmem>>) semaphore(%run_scoped3A : memref<!tpu.dma_semaphore, #tpu.memory_space<semaphore_mem>>) {add = true}
          %dma_wait3A_175 = arith.constant 0 : i32
          %dma_wait3A_176 = tpu.memref_slice %arg8[%sub3A_108, %dma_wait3A_175] : memref<48x128xi32, #tpu.memory_space<vmem>> -> memref<1x128xi32, #tpu.memory_space<vmem>>
          %dma_wait3A_177 = tpu.memref_squeeze %dma_wait3A_176 : memref<1x128xi32, #tpu.memory_space<vmem>> -> memref<128xi32, #tpu.memory_space<vmem>>
          %dma_wait3A_178 = arith.constant 0 : i32
          %dma_wait3A_179 = arith.constant 0 : i32
          %dma_wait3A_180 = tpu.memref_slice %arg11[%dma_wait3A_178, %dma_wait3A_179] : memref<10240x128xf32, #tpu.memory_space<vmem_shared>> -> memref<10240x128xf32, #tpu.memory_space<vmem_shared>>
          tpu.wait_indirect_dma semaphore(%run_scoped3A : memref<!tpu.dma_semaphore, #tpu.memory_space<semaphore_mem>>) src(%arg10 : memref<128x128xf32, #tpu.memory_space<vmem>>) dst(%dma_wait3A_180 : memref<10240x128xf32, #tpu.memory_space<vmem_shared>>)
          tpu.yield
        }) : () -> ()
        %add3A_109 = arith.constant 5 : i32
        %add3A_110 = arith.addi %mul3A_31, %add3A_109 : i32
        %dma_start3A_111 = arith.constant 0 : i32
        %dma_start3A_112 = tpu.memref_slice %arg7[%add3A_110, %dma_start3A_111] : memref<48x128xi32, #tpu.memory_space<vmem>> -> memref<1x128xi32, #tpu.memory_space<vmem>>
        %dma_start3A_113 = tpu.memref_squeeze %dma_start3A_112 : memref<1x128xi32, #tpu.memory_space<vmem>> -> memref<128xi32, #tpu.memory_space<vmem>>
        %dma_start3A_114 = arith.constant 0 : i32
        %dma_start3A_115 = arith.constant 0 : i32
        %dma_start3A_116 = tpu.memref_slice %arg2[%dma_start3A_114, %dma_start3A_115] : memref<10240x128xf32, #tpu.memory_space<hbm>> -> memref<10240x128xf32, #tpu.memory_space<hbm>>
        tpu.enqueue_indirect_dma source(%dma_start3A_116 : memref<10240x128xf32, #tpu.memory_space<hbm>>) target(%arg10 : memref<128x128xf32, #tpu.memory_space<vmem>>) offsets(%dma_start3A_113 : memref<128xi32, #tpu.memory_space<vmem>>) semaphore(%arg13 : memref<!tpu.dma_semaphore, #tpu.memory_space<semaphore_mem>>)
        %dma_wait3A_117 = arith.constant 0 : i32
        %dma_wait3A_118 = tpu.memref_slice %arg7[%add3A_92, %dma_wait3A_117] : memref<48x128xi32, #tpu.memory_space<vmem>> -> memref<1x128xi32, #tpu.memory_space<vmem>>
        %dma_wait3A_119 = tpu.memref_squeeze %dma_wait3A_118 : memref<1x128xi32, #tpu.memory_space<vmem>> -> memref<128xi32, #tpu.memory_space<vmem>>
        %dma_wait3A_120 = arith.constant 0 : i32
        %dma_wait3A_121 = arith.constant 0 : i32
        %dma_wait3A_122 = tpu.memref_slice %arg2[%dma_wait3A_120, %dma_wait3A_121] : memref<10240x128xf32, #tpu.memory_space<hbm>> -> memref<10240x128xf32, #tpu.memory_space<hbm>>
        tpu.wait_indirect_dma semaphore(%arg12 : memref<!tpu.dma_semaphore, #tpu.memory_space<semaphore_mem>>) src(%dma_wait3A_122 : memref<10240x128xf32, #tpu.memory_space<hbm>>) dst(%arg9 : memref<128x128xf32, #tpu.memory_space<vmem>>)
        %add3A_123 = arith.constant 6 : i32
        %add3A_124 = arith.addi %mul3A_31, %add3A_123 : i32
        %sub3A_125 = arith.constant 2 : i32
        %sub3A_126 = arith.subi %add3A_124, %sub3A_125 : i32
        "tpu.region"() ({
          %run_scoped3A = tpu.sem_alloc : memref<!tpu.dma_semaphore, #tpu.memory_space<semaphore_mem>>
          %dma_start3A_169 = arith.constant 0 : i32
          %dma_start3A_170 = tpu.memref_slice %arg8[%sub3A_126, %dma_start3A_169] : memref<48x128xi32, #tpu.memory_space<vmem>> -> memref<1x128xi32, #tpu.memory_space<vmem>>
          %dma_start3A_171 = tpu.memref_squeeze %dma_start3A_170 : memref<1x128xi32, #tpu.memory_space<vmem>> -> memref<128xi32, #tpu.memory_space<vmem>>
          %dma_start3A_172 = arith.constant 0 : i32
          %dma_start3A_173 = arith.constant 0 : i32
          %dma_start3A_174 = tpu.memref_slice %arg11[%dma_start3A_172, %dma_start3A_173] : memref<10240x128xf32, #tpu.memory_space<vmem_shared>> -> memref<10240x128xf32, #tpu.memory_space<vmem_shared>>
          tpu.enqueue_indirect_dma source(%arg9 : memref<128x128xf32, #tpu.memory_space<vmem>>) target(%dma_start3A_174 : memref<10240x128xf32, #tpu.memory_space<vmem_shared>>) offsets(%dma_start3A_171 : memref<128xi32, #tpu.memory_space<vmem>>) semaphore(%run_scoped3A : memref<!tpu.dma_semaphore, #tpu.memory_space<semaphore_mem>>) {add = true}
          %dma_wait3A_175 = arith.constant 0 : i32
          %dma_wait3A_176 = tpu.memref_slice %arg8[%sub3A_126, %dma_wait3A_175] : memref<48x128xi32, #tpu.memory_space<vmem>> -> memref<1x128xi32, #tpu.memory_space<vmem>>
          %dma_wait3A_177 = tpu.memref_squeeze %dma_wait3A_176 : memref<1x128xi32, #tpu.memory_space<vmem>> -> memref<128xi32, #tpu.memory_space<vmem>>
          %dma_wait3A_178 = arith.constant 0 : i32
          %dma_wait3A_179 = arith.constant 0 : i32
          %dma_wait3A_180 = tpu.memref_slice %arg11[%dma_wait3A_178, %dma_wait3A_179] : memref<10240x128xf32, #tpu.memory_space<vmem_shared>> -> memref<10240x128xf32, #tpu.memory_space<vmem_shared>>
          tpu.wait_indirect_dma semaphore(%run_scoped3A : memref<!tpu.dma_semaphore, #tpu.memory_space<semaphore_mem>>) src(%arg9 : memref<128x128xf32, #tpu.memory_space<vmem>>) dst(%dma_wait3A_180 : memref<10240x128xf32, #tpu.memory_space<vmem_shared>>)
          tpu.yield
        }) : () -> ()
        %add3A_127 = arith.constant 6 : i32
        %add3A_128 = arith.addi %mul3A_31, %add3A_127 : i32
        %dma_start3A_129 = arith.constant 0 : i32
        %dma_start3A_130 = tpu.memref_slice %arg7[%add3A_128, %dma_start3A_129] : memref<48x128xi32, #tpu.memory_space<vmem>> -> memref<1x128xi32, #tpu.memory_space<vmem>>
        %dma_start3A_131 = tpu.memref_squeeze %dma_start3A_130 : memref<1x128xi32, #tpu.memory_space<vmem>> -> memref<128xi32, #tpu.memory_space<vmem>>
        %dma_start3A_132 = arith.constant 0 : i32
        %dma_start3A_133 = arith.constant 0 : i32
        %dma_start3A_134 = tpu.memref_slice %arg2[%dma_start3A_132, %dma_start3A_133] : memref<10240x128xf32, #tpu.memory_space<hbm>> -> memref<10240x128xf32, #tpu.memory_space<hbm>>
        tpu.enqueue_indirect_dma source(%dma_start3A_134 : memref<10240x128xf32, #tpu.memory_space<hbm>>) target(%arg9 : memref<128x128xf32, #tpu.memory_space<vmem>>) offsets(%dma_start3A_131 : memref<128xi32, #tpu.memory_space<vmem>>) semaphore(%arg12 : memref<!tpu.dma_semaphore, #tpu.memory_space<semaphore_mem>>)
        %dma_wait3A_135 = arith.constant 0 : i32
        %dma_wait3A_136 = tpu.memref_slice %arg7[%add3A_110, %dma_wait3A_135] : memref<48x128xi32, #tpu.memory_space<vmem>> -> memref<1x128xi32, #tpu.memory_space<vmem>>
        %dma_wait3A_137 = tpu.memref_squeeze %dma_wait3A_136 : memref<1x128xi32, #tpu.memory_space<vmem>> -> memref<128xi32, #tpu.memory_space<vmem>>
        %dma_wait3A_138 = arith.constant 0 : i32
        %dma_wait3A_139 = arith.constant 0 : i32
        %dma_wait3A_140 = tpu.memref_slice %arg2[%dma_wait3A_138, %dma_wait3A_139] : memref<10240x128xf32, #tpu.memory_space<hbm>> -> memref<10240x128xf32, #tpu.memory_space<hbm>>
        tpu.wait_indirect_dma semaphore(%arg13 : memref<!tpu.dma_semaphore, #tpu.memory_space<semaphore_mem>>) src(%dma_wait3A_140 : memref<10240x128xf32, #tpu.memory_space<hbm>>) dst(%arg10 : memref<128x128xf32, #tpu.memory_space<vmem>>)
        %add3A_141 = arith.constant 7 : i32
        %add3A_142 = arith.addi %mul3A_31, %add3A_141 : i32
        %sub3A_143 = arith.constant 2 : i32
        %sub3A_144 = arith.subi %add3A_142, %sub3A_143 : i32
        "tpu.region"() ({
          %run_scoped3A = tpu.sem_alloc : memref<!tpu.dma_semaphore, #tpu.memory_space<semaphore_mem>>
          %dma_start3A_169 = arith.constant 0 : i32
          %dma_start3A_170 = tpu.memref_slice %arg8[%sub3A_144, %dma_start3A_169] : memref<48x128xi32, #tpu.memory_space<vmem>> -> memref<1x128xi32, #tpu.memory_space<vmem>>
          %dma_start3A_171 = tpu.memref_squeeze %dma_start3A_170 : memref<1x128xi32, #tpu.memory_space<vmem>> -> memref<128xi32, #tpu.memory_space<vmem>>
          %dma_start3A_172 = arith.constant 0 : i32
          %dma_start3A_173 = arith.constant 0 : i32
          %dma_start3A_174 = tpu.memref_slice %arg11[%dma_start3A_172, %dma_start3A_173] : memref<10240x128xf32, #tpu.memory_space<vmem_shared>> -> memref<10240x128xf32, #tpu.memory_space<vmem_shared>>
          tpu.enqueue_indirect_dma source(%arg10 : memref<128x128xf32, #tpu.memory_space<vmem>>) target(%dma_start3A_174 : memref<10240x128xf32, #tpu.memory_space<vmem_shared>>) offsets(%dma_start3A_171 : memref<128xi32, #tpu.memory_space<vmem>>) semaphore(%run_scoped3A : memref<!tpu.dma_semaphore, #tpu.memory_space<semaphore_mem>>) {add = true}
          %dma_wait3A_175 = arith.constant 0 : i32
          %dma_wait3A_176 = tpu.memref_slice %arg8[%sub3A_144, %dma_wait3A_175] : memref<48x128xi32, #tpu.memory_space<vmem>> -> memref<1x128xi32, #tpu.memory_space<vmem>>
          %dma_wait3A_177 = tpu.memref_squeeze %dma_wait3A_176 : memref<1x128xi32, #tpu.memory_space<vmem>> -> memref<128xi32, #tpu.memory_space<vmem>>
          %dma_wait3A_178 = arith.constant 0 : i32
          %dma_wait3A_179 = arith.constant 0 : i32
          %dma_wait3A_180 = tpu.memref_slice %arg11[%dma_wait3A_178, %dma_wait3A_179] : memref<10240x128xf32, #tpu.memory_space<vmem_shared>> -> memref<10240x128xf32, #tpu.memory_space<vmem_shared>>
          tpu.wait_indirect_dma semaphore(%run_scoped3A : memref<!tpu.dma_semaphore, #tpu.memory_space<semaphore_mem>>) src(%arg10 : memref<128x128xf32, #tpu.memory_space<vmem>>) dst(%dma_wait3A_180 : memref<10240x128xf32, #tpu.memory_space<vmem_shared>>)
          tpu.yield
        }) : () -> ()
        %add3A_145 = arith.constant 7 : i32
        %add3A_146 = arith.addi %mul3A_31, %add3A_145 : i32
        %dma_start3A_147 = arith.constant 0 : i32
        %dma_start3A_148 = tpu.memref_slice %arg7[%add3A_146, %dma_start3A_147] : memref<48x128xi32, #tpu.memory_space<vmem>> -> memref<1x128xi32, #tpu.memory_space<vmem>>
        %dma_start3A_149 = tpu.memref_squeeze %dma_start3A_148 : memref<1x128xi32, #tpu.memory_space<vmem>> -> memref<128xi32, #tpu.memory_space<vmem>>
        %dma_start3A_150 = arith.constant 0 : i32
        %dma_start3A_151 = arith.constant 0 : i32
        %dma_start3A_152 = tpu.memref_slice %arg2[%dma_start3A_150, %dma_start3A_151] : memref<10240x128xf32, #tpu.memory_space<hbm>> -> memref<10240x128xf32, #tpu.memory_space<hbm>>
        tpu.enqueue_indirect_dma source(%dma_start3A_152 : memref<10240x128xf32, #tpu.memory_space<hbm>>) target(%arg10 : memref<128x128xf32, #tpu.memory_space<vmem>>) offsets(%dma_start3A_149 : memref<128xi32, #tpu.memory_space<vmem>>) semaphore(%arg13 : memref<!tpu.dma_semaphore, #tpu.memory_space<semaphore_mem>>)
        %dma_wait3A_153 = arith.constant 0 : i32
        %dma_wait3A_154 = tpu.memref_slice %arg7[%add3A_128, %dma_wait3A_153] : memref<48x128xi32, #tpu.memory_space<vmem>> -> memref<1x128xi32, #tpu.memory_space<vmem>>
        %dma_wait3A_155 = tpu.memref_squeeze %dma_wait3A_154 : memref<1x128xi32, #tpu.memory_space<vmem>> -> memref<128xi32, #tpu.memory_space<vmem>>
        %dma_wait3A_156 = arith.constant 0 : i32
        %dma_wait3A_157 = arith.constant 0 : i32
        %dma_wait3A_158 = tpu.memref_slice %arg2[%dma_wait3A_156, %dma_wait3A_157] : memref<10240x128xf32, #tpu.memory_space<hbm>> -> memref<10240x128xf32, #tpu.memory_space<hbm>>
        tpu.wait_indirect_dma semaphore(%arg12 : memref<!tpu.dma_semaphore, #tpu.memory_space<semaphore_mem>>) src(%dma_wait3A_158 : memref<10240x128xf32, #tpu.memory_space<hbm>>) dst(%arg9 : memref<128x128xf32, #tpu.memory_space<vmem>>)
        %add3A_159 = arith.constant 6 : i32
        %add3A_160 = arith.addi %mul3A_31, %add3A_159 : i32
        "tpu.region"() ({
          %run_scoped3A = tpu.sem_alloc : memref<!tpu.dma_semaphore, #tpu.memory_space<semaphore_mem>>
          %dma_start3A_169 = arith.constant 0 : i32
          %dma_start3A_170 = tpu.memref_slice %arg8[%add3A_160, %dma_start3A_169] : memref<48x128xi32, #tpu.memory_space<vmem>> -> memref<1x128xi32, #tpu.memory_space<vmem>>
          %dma_start3A_171 = tpu.memref_squeeze %dma_start3A_170 : memref<1x128xi32, #tpu.memory_space<vmem>> -> memref<128xi32, #tpu.memory_space<vmem>>
          %dma_start3A_172 = arith.constant 0 : i32
          %dma_start3A_173 = arith.constant 0 : i32
          %dma_start3A_174 = tpu.memref_slice %arg11[%dma_start3A_172, %dma_start3A_173] : memref<10240x128xf32, #tpu.memory_space<vmem_shared>> -> memref<10240x128xf32, #tpu.memory_space<vmem_shared>>
          tpu.enqueue_indirect_dma source(%arg9 : memref<128x128xf32, #tpu.memory_space<vmem>>) target(%dma_start3A_174 : memref<10240x128xf32, #tpu.memory_space<vmem_shared>>) offsets(%dma_start3A_171 : memref<128xi32, #tpu.memory_space<vmem>>) semaphore(%run_scoped3A : memref<!tpu.dma_semaphore, #tpu.memory_space<semaphore_mem>>) {add = true}
          %dma_wait3A_175 = arith.constant 0 : i32
          %dma_wait3A_176 = tpu.memref_slice %arg8[%add3A_160, %dma_wait3A_175] : memref<48x128xi32, #tpu.memory_space<vmem>> -> memref<1x128xi32, #tpu.memory_space<vmem>>
          %dma_wait3A_177 = tpu.memref_squeeze %dma_wait3A_176 : memref<1x128xi32, #tpu.memory_space<vmem>> -> memref<128xi32, #tpu.memory_space<vmem>>
          %dma_wait3A_178 = arith.constant 0 : i32
          %dma_wait3A_179 = arith.constant 0 : i32
          %dma_wait3A_180 = tpu.memref_slice %arg11[%dma_wait3A_178, %dma_wait3A_179] : memref<10240x128xf32, #tpu.memory_space<vmem_shared>> -> memref<10240x128xf32, #tpu.memory_space<vmem_shared>>
          tpu.wait_indirect_dma semaphore(%run_scoped3A : memref<!tpu.dma_semaphore, #tpu.memory_space<semaphore_mem>>) src(%arg9 : memref<128x128xf32, #tpu.memory_space<vmem>>) dst(%dma_wait3A_180 : memref<10240x128xf32, #tpu.memory_space<vmem_shared>>)
          tpu.yield
        }) : () -> ()
        %dma_wait3A_161 = arith.constant 0 : i32
        %dma_wait3A_162 = tpu.memref_slice %arg7[%add3A_146, %dma_wait3A_161] : memref<48x128xi32, #tpu.memory_space<vmem>> -> memref<1x128xi32, #tpu.memory_space<vmem>>
        %dma_wait3A_163 = tpu.memref_squeeze %dma_wait3A_162 : memref<1x128xi32, #tpu.memory_space<vmem>> -> memref<128xi32, #tpu.memory_space<vmem>>
        %dma_wait3A_164 = arith.constant 0 : i32
        %dma_wait3A_165 = arith.constant 0 : i32
        %dma_wait3A_166 = tpu.memref_slice %arg2[%dma_wait3A_164, %dma_wait3A_165] : memref<10240x128xf32, #tpu.memory_space<hbm>> -> memref<10240x128xf32, #tpu.memory_space<hbm>>
        tpu.wait_indirect_dma semaphore(%arg13 : memref<!tpu.dma_semaphore, #tpu.memory_space<semaphore_mem>>) src(%dma_wait3A_166 : memref<10240x128xf32, #tpu.memory_space<hbm>>) dst(%arg10 : memref<128x128xf32, #tpu.memory_space<vmem>>)
        %add3A_167 = arith.constant 7 : i32
        %add3A_168 = arith.addi %mul3A_31, %add3A_167 : i32
        "tpu.region"() ({
          %run_scoped3A = tpu.sem_alloc : memref<!tpu.dma_semaphore, #tpu.memory_space<semaphore_mem>>
          %dma_start3A_169 = arith.constant 0 : i32
          %dma_start3A_170 = tpu.memref_slice %arg8[%add3A_168, %dma_start3A_169] : memref<48x128xi32, #tpu.memory_space<vmem>> -> memref<1x128xi32, #tpu.memory_space<vmem>>
          %dma_start3A_171 = tpu.memref_squeeze %dma_start3A_170 : memref<1x128xi32, #tpu.memory_space<vmem>> -> memref<128xi32, #tpu.memory_space<vmem>>
          %dma_start3A_172 = arith.constant 0 : i32
          %dma_start3A_173 = arith.constant 0 : i32
          %dma_start3A_174 = tpu.memref_slice %arg11[%dma_start3A_172, %dma_start3A_173] : memref<10240x128xf32, #tpu.memory_space<vmem_shared>> -> memref<10240x128xf32, #tpu.memory_space<vmem_shared>>
          tpu.enqueue_indirect_dma source(%arg10 : memref<128x128xf32, #tpu.memory_space<vmem>>) target(%dma_start3A_174 : memref<10240x128xf32, #tpu.memory_space<vmem_shared>>) offsets(%dma_start3A_171 : memref<128xi32, #tpu.memory_space<vmem>>) semaphore(%run_scoped3A : memref<!tpu.dma_semaphore, #tpu.memory_space<semaphore_mem>>) {add = true}
          %dma_wait3A_175 = arith.constant 0 : i32
          %dma_wait3A_176 = tpu.memref_slice %arg8[%add3A_168, %dma_wait3A_175] : memref<48x128xi32, #tpu.memory_space<vmem>> -> memref<1x128xi32, #tpu.memory_space<vmem>>
          %dma_wait3A_177 = tpu.memref_squeeze %dma_wait3A_176 : memref<1x128xi32, #tpu.memory_space<vmem>> -> memref<128xi32, #tpu.memory_space<vmem>>
          %dma_wait3A_178 = arith.constant 0 : i32
          %dma_wait3A_179 = arith.constant 0 : i32
          %dma_wait3A_180 = tpu.memref_slice %arg11[%dma_wait3A_178, %dma_wait3A_179] : memref<10240x128xf32, #tpu.memory_space<vmem_shared>> -> memref<10240x128xf32, #tpu.memory_space<vmem_shared>>
          tpu.wait_indirect_dma semaphore(%run_scoped3A : memref<!tpu.dma_semaphore, #tpu.memory_space<semaphore_mem>>) src(%arg10 : memref<128x128xf32, #tpu.memory_space<vmem>>) dst(%dma_wait3A_180 : memref<10240x128xf32, #tpu.memory_space<vmem_shared>>)
          tpu.yield
        }) : () -> ()
      }
      %scan3A_28 = arith.constant 5 : i32
    }
    %scan3A_9 = arith.constant 2 : i32
    %barrier3A_10 = arith.constant 0 : index
    tpu.barrier barrier_id(%barrier3A_10)
    %mul3A_11 = arith.constant 640 : i32
    %mul3A_12 = arith.muli %arg1, %mul3A_11 : i32
    %mul3A_13 = arith.constant 10240 : i32
    %mul3A_14 = arith.muli %arg0, %mul3A_13 : i32
    %mul3A_15 = arith.constant 640 : i32
    %mul3A_16 = arith.muli %arg1, %mul3A_15 : i32
    %add3A_17 = arith.addi %mul3A_14, %mul3A_16 : i32
    "tpu.region"() ({
      %run_scoped3A = tpu.sem_alloc : memref<!tpu.dma_semaphore, #tpu.memory_space<semaphore_mem>>
      %dma_start3A = arith.constant 0 : i32
      %dma_start3A_18 = tpu.memref_slice %arg6[%add3A_17, %dma_start3A] : memref<20480x128xf32, #tpu.memory_space<hbm>> -> memref<640x128xf32, #tpu.memory_space<hbm>>
      %dma_start3A_19 = arith.constant 0 : i32
      %dma_start3A_20 = tpu.memref_slice %arg11[%mul3A_12, %dma_start3A_19] : memref<10240x128xf32, #tpu.memory_space<vmem_shared>> -> memref<640x128xf32, #tpu.memory_space<vmem_shared>>
      tpu.enqueue_dma source(%dma_start3A_20 : memref<640x128xf32, #tpu.memory_space<vmem_shared>>) target(%dma_start3A_18 : memref<640x128xf32, #tpu.memory_space<hbm>>) target_semaphore(%run_scoped3A : memref<!tpu.dma_semaphore, #tpu.memory_space<semaphore_mem>>)
      %dma_wait3A = arith.constant 0 : i32
      %dma_wait3A_21 = tpu.memref_slice %arg6[%add3A_17, %dma_wait3A] : memref<20480x128xf32, #tpu.memory_space<hbm>> -> memref<640x128xf32, #tpu.memory_space<hbm>>
      %dma_wait3A_22 = arith.constant 0 : i32
      %dma_wait3A_23 = tpu.memref_slice %arg11[%mul3A_12, %dma_wait3A_22] : memref<10240x128xf32, #tpu.memory_space<vmem_shared>> -> memref<640x128xf32, #tpu.memory_space<vmem_shared>>
      tpu.wait_dma2 semaphore(%run_scoped3A : memref<!tpu.dma_semaphore, #tpu.memory_space<semaphore_mem>>) src(%dma_wait3A_23 : memref<640x128xf32, #tpu.memory_space<vmem_shared>>) dst(%dma_wait3A_21 : memref<640x128xf32, #tpu.memory_space<hbm>>)
      tpu.yield
    }) : () -> ()
    return
  }
}

#map = affine_map<(d0, d1) -> (0, 0)>
#map1 = affine_map<(d0, d1) -> (0, 0, 0)>
module attributes {stable_mosaic.version = 14 : i64} {
  func.func @_sc_aggregate(%arg0: i32, %arg1: i32, %arg2: memref<10240x128xf32, #tpu.memory_space<hbm>>, %arg3: memref<32x96x128xi32, #tpu.memory_space<hbm>>, %arg4: memref<32x96x128xi32, #tpu.memory_space<hbm>>, %arg5: memref<10240x128xf32, #tpu.memory_space<hbm>>, %arg6: memref<20480x128xf32, #tpu.memory_space<hbm>>, %arg7: memref<48x128xi32, #tpu.memory_space<vmem>>, %arg8: memref<48x128xi32, #tpu.memory_space<vmem>>, %arg9: memref<128x128xf32, #tpu.memory_space<vmem>>, %arg10: memref<128x128xf32, #tpu.memory_space<vmem>>, %arg11: memref<10240x128xf32, #tpu.memory_space<vmem_shared>>, %arg12: memref<!tpu.dma_semaphore, #tpu.memory_space<semaphore_mem>>, %arg13: memref<!tpu.dma_semaphore, #tpu.memory_space<semaphore_mem>>) attributes {dimension_semantics = [#tpu.dimension_semantics<core_parallel>, #tpu.dimension_semantics<subcore_parallel>], iteration_bounds = array<i64: 2, 16>, scalar_prefetch = 0 : i64, scratch_operands = 7 : i64, tpu.core_type = #tpu.core_type<sc_vector_subcore>, window_params = [{transform_indices = #map}, {transform_indices = #map1}, {transform_indices = #map1}, {transform_indices = #map}, {transform_indices = #map}]} {
    %mul3A = arith.constant 2 : i32
    %mul3A_0 = arith.muli %arg1, %mul3A : i32
    %add3A = arith.addi %mul3A_0, %arg0 : i32
    %mul3A_1 = arith.constant 640 : i32
    %mul3A_2 = arith.muli %arg1, %mul3A_1 : i32
    %mul3A_3 = arith.constant 640 : i32
    %mul3A_4 = arith.muli %arg1, %mul3A_3 : i32
    "tpu.region"() ({
      %run_scoped3A = tpu.sem_alloc : memref<!tpu.dma_semaphore, #tpu.memory_space<semaphore_mem>>
      %dma_start3A = arith.constant 0 : i32
      %dma_start3A_18 = tpu.memref_slice %arg11[%mul3A_4, %dma_start3A] : memref<10240x128xf32, #tpu.memory_space<vmem_shared>> -> memref<640x128xf32, #tpu.memory_space<vmem_shared>>
      %dma_start3A_19 = arith.constant 0 : i32
      %dma_start3A_20 = tpu.memref_slice %arg5[%mul3A_2, %dma_start3A_19] : memref<10240x128xf32, #tpu.memory_space<hbm>> -> memref<640x128xf32, #tpu.memory_space<hbm>>
      tpu.enqueue_dma source(%dma_start3A_20 : memref<640x128xf32, #tpu.memory_space<hbm>>) target(%dma_start3A_18 : memref<640x128xf32, #tpu.memory_space<vmem_shared>>) target_semaphore(%run_scoped3A : memref<!tpu.dma_semaphore, #tpu.memory_space<semaphore_mem>>)
      %dma_wait3A = arith.constant 0 : i32
      %dma_wait3A_21 = tpu.memref_slice %arg11[%mul3A_4, %dma_wait3A] : memref<10240x128xf32, #tpu.memory_space<vmem_shared>> -> memref<640x128xf32, #tpu.memory_space<vmem_shared>>
      %dma_wait3A_22 = arith.constant 0 : i32
      %dma_wait3A_23 = tpu.memref_slice %arg5[%mul3A_2, %dma_wait3A_22] : memref<10240x128xf32, #tpu.memory_space<hbm>> -> memref<640x128xf32, #tpu.memory_space<hbm>>
      tpu.wait_dma2 semaphore(%run_scoped3A : memref<!tpu.dma_semaphore, #tpu.memory_space<semaphore_mem>>) src(%dma_wait3A_23 : memref<640x128xf32, #tpu.memory_space<hbm>>) dst(%dma_wait3A_21 : memref<640x128xf32, #tpu.memory_space<vmem_shared>>)
      tpu.yield
    }) : () -> ()
    %barrier3A = arith.constant 0 : index
    tpu.barrier barrier_id(%barrier3A)
    %scan3A = arith.constant 0 : i32
    %scan3A_5 = arith.constant 0 : i32
    %scan3A_6 = arith.constant 2 : i32
    %scan3A_7 = arith.addi %scan3A_5, %scan3A_6 : i32
    %scan3A_8 = arith.constant 1 : i32
    scf.for %scan3A_18 = %scan3A_5 to %scan3A_7 step %scan3A_8  : i32 {
      %mul3A_19 = arith.constant 48 : i32
      %mul3A_20 = arith.muli %scan3A_18, %mul3A_19 : i32
      "tpu.region"() ({
        %run_scoped3A = tpu.sem_alloc : memref<!tpu.dma_semaphore, #tpu.memory_space<semaphore_mem>>
        %dma_start3A = arith.constant 0 : i32
        %dma_start3A_29 = tpu.memref_slice %arg3[%add3A, %mul3A_20, %dma_start3A] : memref<32x96x128xi32, #tpu.memory_space<hbm>> -> memref<1x48x128xi32, #tpu.memory_space<hbm>>
        %dma_start3A_30 = tpu.memref_squeeze %dma_start3A_29 : memref<1x48x128xi32, #tpu.memory_space<hbm>> -> memref<48x128xi32, #tpu.memory_space<hbm>>
        %dma_start3A_31 = arith.constant 0 : i32
        %dma_start3A_32 = tpu.memref_slice %arg3[%add3A, %mul3A_20, %dma_start3A_31] : memref<32x96x128xi32, #tpu.memory_space<hbm>> -> memref<1x48x128xi32, #tpu.memory_space<hbm>>
        %dma_start3A_33 = tpu.memref_squeeze %dma_start3A_32 : memref<1x48x128xi32, #tpu.memory_space<hbm>> -> memref<48x128xi32, #tpu.memory_space<hbm>>
        tpu.enqueue_dma source(%dma_start3A_33 : memref<48x128xi32, #tpu.memory_space<hbm>>) target(%arg7 : memref<48x128xi32, #tpu.memory_space<vmem>>) target_semaphore(%run_scoped3A : memref<!tpu.dma_semaphore, #tpu.memory_space<semaphore_mem>>)
        %dma_wait3A = arith.constant 0 : i32
        %dma_wait3A_34 = tpu.memref_slice %arg3[%add3A, %mul3A_20, %dma_wait3A] : memref<32x96x128xi32, #tpu.memory_space<hbm>> -> memref<1x48x128xi32, #tpu.memory_space<hbm>>
        %dma_wait3A_35 = tpu.memref_squeeze %dma_wait3A_34 : memref<1x48x128xi32, #tpu.memory_space<hbm>> -> memref<48x128xi32, #tpu.memory_space<hbm>>
        %dma_wait3A_36 = arith.constant 0 : i32
        %dma_wait3A_37 = tpu.memref_slice %arg3[%add3A, %mul3A_20, %dma_wait3A_36] : memref<32x96x128xi32, #tpu.memory_space<hbm>> -> memref<1x48x128xi32, #tpu.memory_space<hbm>>
        %dma_wait3A_38 = tpu.memref_squeeze %dma_wait3A_37 : memref<1x48x128xi32, #tpu.memory_space<hbm>> -> memref<48x128xi32, #tpu.memory_space<hbm>>
        tpu.wait_dma2 semaphore(%run_scoped3A : memref<!tpu.dma_semaphore, #tpu.memory_space<semaphore_mem>>) src(%dma_wait3A_38 : memref<48x128xi32, #tpu.memory_space<hbm>>) dst(%arg7 : memref<48x128xi32, #tpu.memory_space<vmem>>)
        tpu.yield
      }) : () -> ()
      %mul3A_21 = arith.constant 48 : i32
      %mul3A_22 = arith.muli %scan3A_18, %mul3A_21 : i32
      "tpu.region"() ({
        %run_scoped3A = tpu.sem_alloc : memref<!tpu.dma_semaphore, #tpu.memory_space<semaphore_mem>>
        %dma_start3A = arith.constant 0 : i32
        %dma_start3A_29 = tpu.memref_slice %arg4[%add3A, %mul3A_22, %dma_start3A] : memref<32x96x128xi32, #tpu.memory_space<hbm>> -> memref<1x48x128xi32, #tpu.memory_space<hbm>>
        %dma_start3A_30 = tpu.memref_squeeze %dma_start3A_29 : memref<1x48x128xi32, #tpu.memory_space<hbm>> -> memref<48x128xi32, #tpu.memory_space<hbm>>
        %dma_start3A_31 = arith.constant 0 : i32
        %dma_start3A_32 = tpu.memref_slice %arg4[%add3A, %mul3A_22, %dma_start3A_31] : memref<32x96x128xi32, #tpu.memory_space<hbm>> -> memref<1x48x128xi32, #tpu.memory_space<hbm>>
        %dma_start3A_33 = tpu.memref_squeeze %dma_start3A_32 : memref<1x48x128xi32, #tpu.memory_space<hbm>> -> memref<48x128xi32, #tpu.memory_space<hbm>>
        tpu.enqueue_dma source(%dma_start3A_33 : memref<48x128xi32, #tpu.memory_space<hbm>>) target(%arg8 : memref<48x128xi32, #tpu.memory_space<vmem>>) target_semaphore(%run_scoped3A : memref<!tpu.dma_semaphore, #tpu.memory_space<semaphore_mem>>)
        %dma_wait3A = arith.constant 0 : i32
        %dma_wait3A_34 = tpu.memref_slice %arg4[%add3A, %mul3A_22, %dma_wait3A] : memref<32x96x128xi32, #tpu.memory_space<hbm>> -> memref<1x48x128xi32, #tpu.memory_space<hbm>>
        %dma_wait3A_35 = tpu.memref_squeeze %dma_wait3A_34 : memref<1x48x128xi32, #tpu.memory_space<hbm>> -> memref<48x128xi32, #tpu.memory_space<hbm>>
        %dma_wait3A_36 = arith.constant 0 : i32
        %dma_wait3A_37 = tpu.memref_slice %arg4[%add3A, %mul3A_22, %dma_wait3A_36] : memref<32x96x128xi32, #tpu.memory_space<hbm>> -> memref<1x48x128xi32, #tpu.memory_space<hbm>>
        %dma_wait3A_38 = tpu.memref_squeeze %dma_wait3A_37 : memref<1x48x128xi32, #tpu.memory_space<hbm>> -> memref<48x128xi32, #tpu.memory_space<hbm>>
        tpu.wait_dma2 semaphore(%run_scoped3A : memref<!tpu.dma_semaphore, #tpu.memory_space<semaphore_mem>>) src(%dma_wait3A_38 : memref<48x128xi32, #tpu.memory_space<hbm>>) dst(%arg8 : memref<48x128xi32, #tpu.memory_space<vmem>>)
        tpu.yield
      }) : () -> ()
      %scan3A_23 = arith.constant 0 : i32
      %scan3A_24 = arith.constant 0 : i32
      %scan3A_25 = arith.constant 5 : i32
      %scan3A_26 = arith.addi %scan3A_24, %scan3A_25 : i32
      %scan3A_27 = arith.constant 1 : i32
      scf.for %scan3A_29 = %scan3A_24 to %scan3A_26 step %scan3A_27  : i32 {
        %mul3A_30 = arith.constant 8 : i32
        %mul3A_31 = arith.muli %mul3A_30, %scan3A_29 : i32
        %add3A_32 = arith.constant 0 : i32
        %add3A_33 = arith.addi %mul3A_31, %add3A_32 : i32
        %dma_start3A = arith.constant 0 : i32
        %dma_start3A_34 = tpu.memref_slice %arg7[%add3A_33, %dma_start3A] : memref<48x128xi32, #tpu.memory_space<vmem>> -> memref<1x128xi32, #tpu.memory_space<vmem>>
        %dma_start3A_35 = tpu.memref_squeeze %dma_start3A_34 : memref<1x128xi32, #tpu.memory_space<vmem>> -> memref<128xi32, #tpu.memory_space<vmem>>
        %dma_start3A_36 = arith.constant 0 : i32
        %dma_start3A_37 = arith.constant 0 : i32
        %dma_start3A_38 = tpu.memref_slice %arg2[%dma_start3A_36, %dma_start3A_37] : memref<10240x128xf32, #tpu.memory_space<hbm>> -> memref<10240x128xf32, #tpu.memory_space<hbm>>
        tpu.enqueue_indirect_dma source(%dma_start3A_38 : memref<10240x128xf32, #tpu.memory_space<hbm>>) target(%arg9 : memref<128x128xf32, #tpu.memory_space<vmem>>) offsets(%dma_start3A_35 : memref<128xi32, #tpu.memory_space<vmem>>) semaphore(%arg12 : memref<!tpu.dma_semaphore, #tpu.memory_space<semaphore_mem>>)
        %add3A_39 = arith.constant 1 : i32
        %add3A_40 = arith.addi %mul3A_31, %add3A_39 : i32
        %dma_start3A_41 = arith.constant 0 : i32
        %dma_start3A_42 = tpu.memref_slice %arg7[%add3A_40, %dma_start3A_41] : memref<48x128xi32, #tpu.memory_space<vmem>> -> memref<1x128xi32, #tpu.memory_space<vmem>>
        %dma_start3A_43 = tpu.memref_squeeze %dma_start3A_42 : memref<1x128xi32, #tpu.memory_space<vmem>> -> memref<128xi32, #tpu.memory_space<vmem>>
        %dma_start3A_44 = arith.constant 0 : i32
        %dma_start3A_45 = arith.constant 0 : i32
        %dma_start3A_46 = tpu.memref_slice %arg2[%dma_start3A_44, %dma_start3A_45] : memref<10240x128xf32, #tpu.memory_space<hbm>> -> memref<10240x128xf32, #tpu.memory_space<hbm>>
        tpu.enqueue_indirect_dma source(%dma_start3A_46 : memref<10240x128xf32, #tpu.memory_space<hbm>>) target(%arg10 : memref<128x128xf32, #tpu.memory_space<vmem>>) offsets(%dma_start3A_43 : memref<128xi32, #tpu.memory_space<vmem>>) semaphore(%arg13 : memref<!tpu.dma_semaphore, #tpu.memory_space<semaphore_mem>>)
        %dma_wait3A = arith.constant 0 : i32
        %dma_wait3A_47 = tpu.memref_slice %arg7[%add3A_33, %dma_wait3A] : memref<48x128xi32, #tpu.memory_space<vmem>> -> memref<1x128xi32, #tpu.memory_space<vmem>>
        %dma_wait3A_48 = tpu.memref_squeeze %dma_wait3A_47 : memref<1x128xi32, #tpu.memory_space<vmem>> -> memref<128xi32, #tpu.memory_space<vmem>>
        %dma_wait3A_49 = arith.constant 0 : i32
        %dma_wait3A_50 = arith.constant 0 : i32
        %dma_wait3A_51 = tpu.memref_slice %arg2[%dma_wait3A_49, %dma_wait3A_50] : memref<10240x128xf32, #tpu.memory_space<hbm>> -> memref<10240x128xf32, #tpu.memory_space<hbm>>
        tpu.wait_indirect_dma semaphore(%arg12 : memref<!tpu.dma_semaphore, #tpu.memory_space<semaphore_mem>>) src(%dma_wait3A_51 : memref<10240x128xf32, #tpu.memory_space<hbm>>) dst(%arg9 : memref<128x128xf32, #tpu.memory_space<vmem>>)
        %add3A_52 = arith.constant 2 : i32
        %add3A_53 = arith.addi %mul3A_31, %add3A_52 : i32
        %sub3A = arith.constant 2 : i32
        %sub3A_54 = arith.subi %add3A_53, %sub3A : i32
        "tpu.region"() ({
          %run_scoped3A = tpu.sem_alloc : memref<!tpu.dma_semaphore, #tpu.memory_space<semaphore_mem>>
          %dma_start3A_169 = arith.constant 0 : i32
          %dma_start3A_170 = tpu.memref_slice %arg8[%sub3A_54, %dma_start3A_169] : memref<48x128xi32, #tpu.memory_space<vmem>> -> memref<1x128xi32, #tpu.memory_space<vmem>>
          %dma_start3A_171 = tpu.memref_squeeze %dma_start3A_170 : memref<1x128xi32, #tpu.memory_space<vmem>> -> memref<128xi32, #tpu.memory_space<vmem>>
          %dma_start3A_172 = arith.constant 0 : i32
          %dma_start3A_173 = arith.constant 0 : i32
          %dma_start3A_174 = tpu.memref_slice %arg11[%dma_start3A_172, %dma_start3A_173] : memref<10240x128xf32, #tpu.memory_space<vmem_shared>> -> memref<10240x128xf32, #tpu.memory_space<vmem_shared>>
          tpu.enqueue_indirect_dma source(%arg9 : memref<128x128xf32, #tpu.memory_space<vmem>>) target(%dma_start3A_174 : memref<10240x128xf32, #tpu.memory_space<vmem_shared>>) offsets(%dma_start3A_171 : memref<128xi32, #tpu.memory_space<vmem>>) semaphore(%run_scoped3A : memref<!tpu.dma_semaphore, #tpu.memory_space<semaphore_mem>>) {add = true}
          %dma_wait3A_175 = arith.constant 0 : i32
          %dma_wait3A_176 = tpu.memref_slice %arg8[%sub3A_54, %dma_wait3A_175] : memref<48x128xi32, #tpu.memory_space<vmem>> -> memref<1x128xi32, #tpu.memory_space<vmem>>
          %dma_wait3A_177 = tpu.memref_squeeze %dma_wait3A_176 : memref<1x128xi32, #tpu.memory_space<vmem>> -> memref<128xi32, #tpu.memory_space<vmem>>
          %dma_wait3A_178 = arith.constant 0 : i32
          %dma_wait3A_179 = arith.constant 0 : i32
          %dma_wait3A_180 = tpu.memref_slice %arg11[%dma_wait3A_178, %dma_wait3A_179] : memref<10240x128xf32, #tpu.memory_space<vmem_shared>> -> memref<10240x128xf32, #tpu.memory_space<vmem_shared>>
          tpu.wait_indirect_dma semaphore(%run_scoped3A : memref<!tpu.dma_semaphore, #tpu.memory_space<semaphore_mem>>) src(%arg9 : memref<128x128xf32, #tpu.memory_space<vmem>>) dst(%dma_wait3A_180 : memref<10240x128xf32, #tpu.memory_space<vmem_shared>>)
          tpu.yield
        }) : () -> ()
        %add3A_55 = arith.constant 2 : i32
        %add3A_56 = arith.addi %mul3A_31, %add3A_55 : i32
        %dma_start3A_57 = arith.constant 0 : i32
        %dma_start3A_58 = tpu.memref_slice %arg7[%add3A_56, %dma_start3A_57] : memref<48x128xi32, #tpu.memory_space<vmem>> -> memref<1x128xi32, #tpu.memory_space<vmem>>
        %dma_start3A_59 = tpu.memref_squeeze %dma_start3A_58 : memref<1x128xi32, #tpu.memory_space<vmem>> -> memref<128xi32, #tpu.memory_space<vmem>>
        %dma_start3A_60 = arith.constant 0 : i32
        %dma_start3A_61 = arith.constant 0 : i32
        %dma_start3A_62 = tpu.memref_slice %arg2[%dma_start3A_60, %dma_start3A_61] : memref<10240x128xf32, #tpu.memory_space<hbm>> -> memref<10240x128xf32, #tpu.memory_space<hbm>>
        tpu.enqueue_indirect_dma source(%dma_start3A_62 : memref<10240x128xf32, #tpu.memory_space<hbm>>) target(%arg9 : memref<128x128xf32, #tpu.memory_space<vmem>>) offsets(%dma_start3A_59 : memref<128xi32, #tpu.memory_space<vmem>>) semaphore(%arg12 : memref<!tpu.dma_semaphore, #tpu.memory_space<semaphore_mem>>)
        %dma_wait3A_63 = arith.constant 0 : i32
        %dma_wait3A_64 = tpu.memref_slice %arg7[%add3A_40, %dma_wait3A_63] : memref<48x128xi32, #tpu.memory_space<vmem>> -> memref<1x128xi32, #tpu.memory_space<vmem>>
        %dma_wait3A_65 = tpu.memref_squeeze %dma_wait3A_64 : memref<1x128xi32, #tpu.memory_space<vmem>> -> memref<128xi32, #tpu.memory_space<vmem>>
        %dma_wait3A_66 = arith.constant 0 : i32
        %dma_wait3A_67 = arith.constant 0 : i32
        %dma_wait3A_68 = tpu.memref_slice %arg2[%dma_wait3A_66, %dma_wait3A_67] : memref<10240x128xf32, #tpu.memory_space<hbm>> -> memref<10240x128xf32, #tpu.memory_space<hbm>>
        tpu.wait_indirect_dma semaphore(%arg13 : memref<!tpu.dma_semaphore, #tpu.memory_space<semaphore_mem>>) src(%dma_wait3A_68 : memref<10240x128xf32, #tpu.memory_space<hbm>>) dst(%arg10 : memref<128x128xf32, #tpu.memory_space<vmem>>)
        %add3A_69 = arith.constant 3 : i32
        %add3A_70 = arith.addi %mul3A_31, %add3A_69 : i32
        %sub3A_71 = arith.constant 2 : i32
        %sub3A_72 = arith.subi %add3A_70, %sub3A_71 : i32
        "tpu.region"() ({
          %run_scoped3A = tpu.sem_alloc : memref<!tpu.dma_semaphore, #tpu.memory_space<semaphore_mem>>
          %dma_start3A_169 = arith.constant 0 : i32
          %dma_start3A_170 = tpu.memref_slice %arg8[%sub3A_72, %dma_start3A_169] : memref<48x128xi32, #tpu.memory_space<vmem>> -> memref<1x128xi32, #tpu.memory_space<vmem>>
          %dma_start3A_171 = tpu.memref_squeeze %dma_start3A_170 : memref<1x128xi32, #tpu.memory_space<vmem>> -> memref<128xi32, #tpu.memory_space<vmem>>
          %dma_start3A_172 = arith.constant 0 : i32
          %dma_start3A_173 = arith.constant 0 : i32
          %dma_start3A_174 = tpu.memref_slice %arg11[%dma_start3A_172, %dma_start3A_173] : memref<10240x128xf32, #tpu.memory_space<vmem_shared>> -> memref<10240x128xf32, #tpu.memory_space<vmem_shared>>
          tpu.enqueue_indirect_dma source(%arg10 : memref<128x128xf32, #tpu.memory_space<vmem>>) target(%dma_start3A_174 : memref<10240x128xf32, #tpu.memory_space<vmem_shared>>) offsets(%dma_start3A_171 : memref<128xi32, #tpu.memory_space<vmem>>) semaphore(%run_scoped3A : memref<!tpu.dma_semaphore, #tpu.memory_space<semaphore_mem>>) {add = true}
          %dma_wait3A_175 = arith.constant 0 : i32
          %dma_wait3A_176 = tpu.memref_slice %arg8[%sub3A_72, %dma_wait3A_175] : memref<48x128xi32, #tpu.memory_space<vmem>> -> memref<1x128xi32, #tpu.memory_space<vmem>>
          %dma_wait3A_177 = tpu.memref_squeeze %dma_wait3A_176 : memref<1x128xi32, #tpu.memory_space<vmem>> -> memref<128xi32, #tpu.memory_space<vmem>>
          %dma_wait3A_178 = arith.constant 0 : i32
          %dma_wait3A_179 = arith.constant 0 : i32
          %dma_wait3A_180 = tpu.memref_slice %arg11[%dma_wait3A_178, %dma_wait3A_179] : memref<10240x128xf32, #tpu.memory_space<vmem_shared>> -> memref<10240x128xf32, #tpu.memory_space<vmem_shared>>
          tpu.wait_indirect_dma semaphore(%run_scoped3A : memref<!tpu.dma_semaphore, #tpu.memory_space<semaphore_mem>>) src(%arg10 : memref<128x128xf32, #tpu.memory_space<vmem>>) dst(%dma_wait3A_180 : memref<10240x128xf32, #tpu.memory_space<vmem_shared>>)
          tpu.yield
        }) : () -> ()
        %add3A_73 = arith.constant 3 : i32
        %add3A_74 = arith.addi %mul3A_31, %add3A_73 : i32
        %dma_start3A_75 = arith.constant 0 : i32
        %dma_start3A_76 = tpu.memref_slice %arg7[%add3A_74, %dma_start3A_75] : memref<48x128xi32, #tpu.memory_space<vmem>> -> memref<1x128xi32, #tpu.memory_space<vmem>>
        %dma_start3A_77 = tpu.memref_squeeze %dma_start3A_76 : memref<1x128xi32, #tpu.memory_space<vmem>> -> memref<128xi32, #tpu.memory_space<vmem>>
        %dma_start3A_78 = arith.constant 0 : i32
        %dma_start3A_79 = arith.constant 0 : i32
        %dma_start3A_80 = tpu.memref_slice %arg2[%dma_start3A_78, %dma_start3A_79] : memref<10240x128xf32, #tpu.memory_space<hbm>> -> memref<10240x128xf32, #tpu.memory_space<hbm>>
        tpu.enqueue_indirect_dma source(%dma_start3A_80 : memref<10240x128xf32, #tpu.memory_space<hbm>>) target(%arg10 : memref<128x128xf32, #tpu.memory_space<vmem>>) offsets(%dma_start3A_77 : memref<128xi32, #tpu.memory_space<vmem>>) semaphore(%arg13 : memref<!tpu.dma_semaphore, #tpu.memory_space<semaphore_mem>>)
        %dma_wait3A_81 = arith.constant 0 : i32
        %dma_wait3A_82 = tpu.memref_slice %arg7[%add3A_56, %dma_wait3A_81] : memref<48x128xi32, #tpu.memory_space<vmem>> -> memref<1x128xi32, #tpu.memory_space<vmem>>
        %dma_wait3A_83 = tpu.memref_squeeze %dma_wait3A_82 : memref<1x128xi32, #tpu.memory_space<vmem>> -> memref<128xi32, #tpu.memory_space<vmem>>
        %dma_wait3A_84 = arith.constant 0 : i32
        %dma_wait3A_85 = arith.constant 0 : i32
        %dma_wait3A_86 = tpu.memref_slice %arg2[%dma_wait3A_84, %dma_wait3A_85] : memref<10240x128xf32, #tpu.memory_space<hbm>> -> memref<10240x128xf32, #tpu.memory_space<hbm>>
        tpu.wait_indirect_dma semaphore(%arg12 : memref<!tpu.dma_semaphore, #tpu.memory_space<semaphore_mem>>) src(%dma_wait3A_86 : memref<10240x128xf32, #tpu.memory_space<hbm>>) dst(%arg9 : memref<128x128xf32, #tpu.memory_space<vmem>>)
        %add3A_87 = arith.constant 4 : i32
        %add3A_88 = arith.addi %mul3A_31, %add3A_87 : i32
        %sub3A_89 = arith.constant 2 : i32
        %sub3A_90 = arith.subi %add3A_88, %sub3A_89 : i32
        "tpu.region"() ({
          %run_scoped3A = tpu.sem_alloc : memref<!tpu.dma_semaphore, #tpu.memory_space<semaphore_mem>>
          %dma_start3A_169 = arith.constant 0 : i32
          %dma_start3A_170 = tpu.memref_slice %arg8[%sub3A_90, %dma_start3A_169] : memref<48x128xi32, #tpu.memory_space<vmem>> -> memref<1x128xi32, #tpu.memory_space<vmem>>
          %dma_start3A_171 = tpu.memref_squeeze %dma_start3A_170 : memref<1x128xi32, #tpu.memory_space<vmem>> -> memref<128xi32, #tpu.memory_space<vmem>>
          %dma_start3A_172 = arith.constant 0 : i32
          %dma_start3A_173 = arith.constant 0 : i32
          %dma_start3A_174 = tpu.memref_slice %arg11[%dma_start3A_172, %dma_start3A_173] : memref<10240x128xf32, #tpu.memory_space<vmem_shared>> -> memref<10240x128xf32, #tpu.memory_space<vmem_shared>>
          tpu.enqueue_indirect_dma source(%arg9 : memref<128x128xf32, #tpu.memory_space<vmem>>) target(%dma_start3A_174 : memref<10240x128xf32, #tpu.memory_space<vmem_shared>>) offsets(%dma_start3A_171 : memref<128xi32, #tpu.memory_space<vmem>>) semaphore(%run_scoped3A : memref<!tpu.dma_semaphore, #tpu.memory_space<semaphore_mem>>) {add = true}
          %dma_wait3A_175 = arith.constant 0 : i32
          %dma_wait3A_176 = tpu.memref_slice %arg8[%sub3A_90, %dma_wait3A_175] : memref<48x128xi32, #tpu.memory_space<vmem>> -> memref<1x128xi32, #tpu.memory_space<vmem>>
          %dma_wait3A_177 = tpu.memref_squeeze %dma_wait3A_176 : memref<1x128xi32, #tpu.memory_space<vmem>> -> memref<128xi32, #tpu.memory_space<vmem>>
          %dma_wait3A_178 = arith.constant 0 : i32
          %dma_wait3A_179 = arith.constant 0 : i32
          %dma_wait3A_180 = tpu.memref_slice %arg11[%dma_wait3A_178, %dma_wait3A_179] : memref<10240x128xf32, #tpu.memory_space<vmem_shared>> -> memref<10240x128xf32, #tpu.memory_space<vmem_shared>>
          tpu.wait_indirect_dma semaphore(%run_scoped3A : memref<!tpu.dma_semaphore, #tpu.memory_space<semaphore_mem>>) src(%arg9 : memref<128x128xf32, #tpu.memory_space<vmem>>) dst(%dma_wait3A_180 : memref<10240x128xf32, #tpu.memory_space<vmem_shared>>)
          tpu.yield
        }) : () -> ()
        %add3A_91 = arith.constant 4 : i32
        %add3A_92 = arith.addi %mul3A_31, %add3A_91 : i32
        %dma_start3A_93 = arith.constant 0 : i32
        %dma_start3A_94 = tpu.memref_slice %arg7[%add3A_92, %dma_start3A_93] : memref<48x128xi32, #tpu.memory_space<vmem>> -> memref<1x128xi32, #tpu.memory_space<vmem>>
        %dma_start3A_95 = tpu.memref_squeeze %dma_start3A_94 : memref<1x128xi32, #tpu.memory_space<vmem>> -> memref<128xi32, #tpu.memory_space<vmem>>
        %dma_start3A_96 = arith.constant 0 : i32
        %dma_start3A_97 = arith.constant 0 : i32
        %dma_start3A_98 = tpu.memref_slice %arg2[%dma_start3A_96, %dma_start3A_97] : memref<10240x128xf32, #tpu.memory_space<hbm>> -> memref<10240x128xf32, #tpu.memory_space<hbm>>
        tpu.enqueue_indirect_dma source(%dma_start3A_98 : memref<10240x128xf32, #tpu.memory_space<hbm>>) target(%arg9 : memref<128x128xf32, #tpu.memory_space<vmem>>) offsets(%dma_start3A_95 : memref<128xi32, #tpu.memory_space<vmem>>) semaphore(%arg12 : memref<!tpu.dma_semaphore, #tpu.memory_space<semaphore_mem>>)
        %dma_wait3A_99 = arith.constant 0 : i32
        %dma_wait3A_100 = tpu.memref_slice %arg7[%add3A_74, %dma_wait3A_99] : memref<48x128xi32, #tpu.memory_space<vmem>> -> memref<1x128xi32, #tpu.memory_space<vmem>>
        %dma_wait3A_101 = tpu.memref_squeeze %dma_wait3A_100 : memref<1x128xi32, #tpu.memory_space<vmem>> -> memref<128xi32, #tpu.memory_space<vmem>>
        %dma_wait3A_102 = arith.constant 0 : i32
        %dma_wait3A_103 = arith.constant 0 : i32
        %dma_wait3A_104 = tpu.memref_slice %arg2[%dma_wait3A_102, %dma_wait3A_103] : memref<10240x128xf32, #tpu.memory_space<hbm>> -> memref<10240x128xf32, #tpu.memory_space<hbm>>
        tpu.wait_indirect_dma semaphore(%arg13 : memref<!tpu.dma_semaphore, #tpu.memory_space<semaphore_mem>>) src(%dma_wait3A_104 : memref<10240x128xf32, #tpu.memory_space<hbm>>) dst(%arg10 : memref<128x128xf32, #tpu.memory_space<vmem>>)
        %add3A_105 = arith.constant 5 : i32
        %add3A_106 = arith.addi %mul3A_31, %add3A_105 : i32
        %sub3A_107 = arith.constant 2 : i32
        %sub3A_108 = arith.subi %add3A_106, %sub3A_107 : i32
        "tpu.region"() ({
          %run_scoped3A = tpu.sem_alloc : memref<!tpu.dma_semaphore, #tpu.memory_space<semaphore_mem>>
          %dma_start3A_169 = arith.constant 0 : i32
          %dma_start3A_170 = tpu.memref_slice %arg8[%sub3A_108, %dma_start3A_169] : memref<48x128xi32, #tpu.memory_space<vmem>> -> memref<1x128xi32, #tpu.memory_space<vmem>>
          %dma_start3A_171 = tpu.memref_squeeze %dma_start3A_170 : memref<1x128xi32, #tpu.memory_space<vmem>> -> memref<128xi32, #tpu.memory_space<vmem>>
          %dma_start3A_172 = arith.constant 0 : i32
          %dma_start3A_173 = arith.constant 0 : i32
          %dma_start3A_174 = tpu.memref_slice %arg11[%dma_start3A_172, %dma_start3A_173] : memref<10240x128xf32, #tpu.memory_space<vmem_shared>> -> memref<10240x128xf32, #tpu.memory_space<vmem_shared>>
          tpu.enqueue_indirect_dma source(%arg10 : memref<128x128xf32, #tpu.memory_space<vmem>>) target(%dma_start3A_174 : memref<10240x128xf32, #tpu.memory_space<vmem_shared>>) offsets(%dma_start3A_171 : memref<128xi32, #tpu.memory_space<vmem>>) semaphore(%run_scoped3A : memref<!tpu.dma_semaphore, #tpu.memory_space<semaphore_mem>>) {add = true}
          %dma_wait3A_175 = arith.constant 0 : i32
          %dma_wait3A_176 = tpu.memref_slice %arg8[%sub3A_108, %dma_wait3A_175] : memref<48x128xi32, #tpu.memory_space<vmem>> -> memref<1x128xi32, #tpu.memory_space<vmem>>
          %dma_wait3A_177 = tpu.memref_squeeze %dma_wait3A_176 : memref<1x128xi32, #tpu.memory_space<vmem>> -> memref<128xi32, #tpu.memory_space<vmem>>
          %dma_wait3A_178 = arith.constant 0 : i32
          %dma_wait3A_179 = arith.constant 0 : i32
          %dma_wait3A_180 = tpu.memref_slice %arg11[%dma_wait3A_178, %dma_wait3A_179] : memref<10240x128xf32, #tpu.memory_space<vmem_shared>> -> memref<10240x128xf32, #tpu.memory_space<vmem_shared>>
          tpu.wait_indirect_dma semaphore(%run_scoped3A : memref<!tpu.dma_semaphore, #tpu.memory_space<semaphore_mem>>) src(%arg10 : memref<128x128xf32, #tpu.memory_space<vmem>>) dst(%dma_wait3A_180 : memref<10240x128xf32, #tpu.memory_space<vmem_shared>>)
          tpu.yield
        }) : () -> ()
        %add3A_109 = arith.constant 5 : i32
        %add3A_110 = arith.addi %mul3A_31, %add3A_109 : i32
        %dma_start3A_111 = arith.constant 0 : i32
        %dma_start3A_112 = tpu.memref_slice %arg7[%add3A_110, %dma_start3A_111] : memref<48x128xi32, #tpu.memory_space<vmem>> -> memref<1x128xi32, #tpu.memory_space<vmem>>
        %dma_start3A_113 = tpu.memref_squeeze %dma_start3A_112 : memref<1x128xi32, #tpu.memory_space<vmem>> -> memref<128xi32, #tpu.memory_space<vmem>>
        %dma_start3A_114 = arith.constant 0 : i32
        %dma_start3A_115 = arith.constant 0 : i32
        %dma_start3A_116 = tpu.memref_slice %arg2[%dma_start3A_114, %dma_start3A_115] : memref<10240x128xf32, #tpu.memory_space<hbm>> -> memref<10240x128xf32, #tpu.memory_space<hbm>>
        tpu.enqueue_indirect_dma source(%dma_start3A_116 : memref<10240x128xf32, #tpu.memory_space<hbm>>) target(%arg10 : memref<128x128xf32, #tpu.memory_space<vmem>>) offsets(%dma_start3A_113 : memref<128xi32, #tpu.memory_space<vmem>>) semaphore(%arg13 : memref<!tpu.dma_semaphore, #tpu.memory_space<semaphore_mem>>)
        %dma_wait3A_117 = arith.constant 0 : i32
        %dma_wait3A_118 = tpu.memref_slice %arg7[%add3A_92, %dma_wait3A_117] : memref<48x128xi32, #tpu.memory_space<vmem>> -> memref<1x128xi32, #tpu.memory_space<vmem>>
        %dma_wait3A_119 = tpu.memref_squeeze %dma_wait3A_118 : memref<1x128xi32, #tpu.memory_space<vmem>> -> memref<128xi32, #tpu.memory_space<vmem>>
        %dma_wait3A_120 = arith.constant 0 : i32
        %dma_wait3A_121 = arith.constant 0 : i32
        %dma_wait3A_122 = tpu.memref_slice %arg2[%dma_wait3A_120, %dma_wait3A_121] : memref<10240x128xf32, #tpu.memory_space<hbm>> -> memref<10240x128xf32, #tpu.memory_space<hbm>>
        tpu.wait_indirect_dma semaphore(%arg12 : memref<!tpu.dma_semaphore, #tpu.memory_space<semaphore_mem>>) src(%dma_wait3A_122 : memref<10240x128xf32, #tpu.memory_space<hbm>>) dst(%arg9 : memref<128x128xf32, #tpu.memory_space<vmem>>)
        %add3A_123 = arith.constant 6 : i32
        %add3A_124 = arith.addi %mul3A_31, %add3A_123 : i32
        %sub3A_125 = arith.constant 2 : i32
        %sub3A_126 = arith.subi %add3A_124, %sub3A_125 : i32
        "tpu.region"() ({
          %run_scoped3A = tpu.sem_alloc : memref<!tpu.dma_semaphore, #tpu.memory_space<semaphore_mem>>
          %dma_start3A_169 = arith.constant 0 : i32
          %dma_start3A_170 = tpu.memref_slice %arg8[%sub3A_126, %dma_start3A_169] : memref<48x128xi32, #tpu.memory_space<vmem>> -> memref<1x128xi32, #tpu.memory_space<vmem>>
          %dma_start3A_171 = tpu.memref_squeeze %dma_start3A_170 : memref<1x128xi32, #tpu.memory_space<vmem>> -> memref<128xi32, #tpu.memory_space<vmem>>
          %dma_start3A_172 = arith.constant 0 : i32
          %dma_start3A_173 = arith.constant 0 : i32
          %dma_start3A_174 = tpu.memref_slice %arg11[%dma_start3A_172, %dma_start3A_173] : memref<10240x128xf32, #tpu.memory_space<vmem_shared>> -> memref<10240x128xf32, #tpu.memory_space<vmem_shared>>
          tpu.enqueue_indirect_dma source(%arg9 : memref<128x128xf32, #tpu.memory_space<vmem>>) target(%dma_start3A_174 : memref<10240x128xf32, #tpu.memory_space<vmem_shared>>) offsets(%dma_start3A_171 : memref<128xi32, #tpu.memory_space<vmem>>) semaphore(%run_scoped3A : memref<!tpu.dma_semaphore, #tpu.memory_space<semaphore_mem>>) {add = true}
          %dma_wait3A_175 = arith.constant 0 : i32
          %dma_wait3A_176 = tpu.memref_slice %arg8[%sub3A_126, %dma_wait3A_175] : memref<48x128xi32, #tpu.memory_space<vmem>> -> memref<1x128xi32, #tpu.memory_space<vmem>>
          %dma_wait3A_177 = tpu.memref_squeeze %dma_wait3A_176 : memref<1x128xi32, #tpu.memory_space<vmem>> -> memref<128xi32, #tpu.memory_space<vmem>>
          %dma_wait3A_178 = arith.constant 0 : i32
          %dma_wait3A_179 = arith.constant 0 : i32
          %dma_wait3A_180 = tpu.memref_slice %arg11[%dma_wait3A_178, %dma_wait3A_179] : memref<10240x128xf32, #tpu.memory_space<vmem_shared>> -> memref<10240x128xf32, #tpu.memory_space<vmem_shared>>
          tpu.wait_indirect_dma semaphore(%run_scoped3A : memref<!tpu.dma_semaphore, #tpu.memory_space<semaphore_mem>>) src(%arg9 : memref<128x128xf32, #tpu.memory_space<vmem>>) dst(%dma_wait3A_180 : memref<10240x128xf32, #tpu.memory_space<vmem_shared>>)
          tpu.yield
        }) : () -> ()
        %add3A_127 = arith.constant 6 : i32
        %add3A_128 = arith.addi %mul3A_31, %add3A_127 : i32
        %dma_start3A_129 = arith.constant 0 : i32
        %dma_start3A_130 = tpu.memref_slice %arg7[%add3A_128, %dma_start3A_129] : memref<48x128xi32, #tpu.memory_space<vmem>> -> memref<1x128xi32, #tpu.memory_space<vmem>>
        %dma_start3A_131 = tpu.memref_squeeze %dma_start3A_130 : memref<1x128xi32, #tpu.memory_space<vmem>> -> memref<128xi32, #tpu.memory_space<vmem>>
        %dma_start3A_132 = arith.constant 0 : i32
        %dma_start3A_133 = arith.constant 0 : i32
        %dma_start3A_134 = tpu.memref_slice %arg2[%dma_start3A_132, %dma_start3A_133] : memref<10240x128xf32, #tpu.memory_space<hbm>> -> memref<10240x128xf32, #tpu.memory_space<hbm>>
        tpu.enqueue_indirect_dma source(%dma_start3A_134 : memref<10240x128xf32, #tpu.memory_space<hbm>>) target(%arg9 : memref<128x128xf32, #tpu.memory_space<vmem>>) offsets(%dma_start3A_131 : memref<128xi32, #tpu.memory_space<vmem>>) semaphore(%arg12 : memref<!tpu.dma_semaphore, #tpu.memory_space<semaphore_mem>>)
        %dma_wait3A_135 = arith.constant 0 : i32
        %dma_wait3A_136 = tpu.memref_slice %arg7[%add3A_110, %dma_wait3A_135] : memref<48x128xi32, #tpu.memory_space<vmem>> -> memref<1x128xi32, #tpu.memory_space<vmem>>
        %dma_wait3A_137 = tpu.memref_squeeze %dma_wait3A_136 : memref<1x128xi32, #tpu.memory_space<vmem>> -> memref<128xi32, #tpu.memory_space<vmem>>
        %dma_wait3A_138 = arith.constant 0 : i32
        %dma_wait3A_139 = arith.constant 0 : i32
        %dma_wait3A_140 = tpu.memref_slice %arg2[%dma_wait3A_138, %dma_wait3A_139] : memref<10240x128xf32, #tpu.memory_space<hbm>> -> memref<10240x128xf32, #tpu.memory_space<hbm>>
        tpu.wait_indirect_dma semaphore(%arg13 : memref<!tpu.dma_semaphore, #tpu.memory_space<semaphore_mem>>) src(%dma_wait3A_140 : memref<10240x128xf32, #tpu.memory_space<hbm>>) dst(%arg10 : memref<128x128xf32, #tpu.memory_space<vmem>>)
        %add3A_141 = arith.constant 7 : i32
        %add3A_142 = arith.addi %mul3A_31, %add3A_141 : i32
        %sub3A_143 = arith.constant 2 : i32
        %sub3A_144 = arith.subi %add3A_142, %sub3A_143 : i32
        "tpu.region"() ({
          %run_scoped3A = tpu.sem_alloc : memref<!tpu.dma_semaphore, #tpu.memory_space<semaphore_mem>>
          %dma_start3A_169 = arith.constant 0 : i32
          %dma_start3A_170 = tpu.memref_slice %arg8[%sub3A_144, %dma_start3A_169] : memref<48x128xi32, #tpu.memory_space<vmem>> -> memref<1x128xi32, #tpu.memory_space<vmem>>
          %dma_start3A_171 = tpu.memref_squeeze %dma_start3A_170 : memref<1x128xi32, #tpu.memory_space<vmem>> -> memref<128xi32, #tpu.memory_space<vmem>>
          %dma_start3A_172 = arith.constant 0 : i32
          %dma_start3A_173 = arith.constant 0 : i32
          %dma_start3A_174 = tpu.memref_slice %arg11[%dma_start3A_172, %dma_start3A_173] : memref<10240x128xf32, #tpu.memory_space<vmem_shared>> -> memref<10240x128xf32, #tpu.memory_space<vmem_shared>>
          tpu.enqueue_indirect_dma source(%arg10 : memref<128x128xf32, #tpu.memory_space<vmem>>) target(%dma_start3A_174 : memref<10240x128xf32, #tpu.memory_space<vmem_shared>>) offsets(%dma_start3A_171 : memref<128xi32, #tpu.memory_space<vmem>>) semaphore(%run_scoped3A : memref<!tpu.dma_semaphore, #tpu.memory_space<semaphore_mem>>) {add = true}
          %dma_wait3A_175 = arith.constant 0 : i32
          %dma_wait3A_176 = tpu.memref_slice %arg8[%sub3A_144, %dma_wait3A_175] : memref<48x128xi32, #tpu.memory_space<vmem>> -> memref<1x128xi32, #tpu.memory_space<vmem>>
          %dma_wait3A_177 = tpu.memref_squeeze %dma_wait3A_176 : memref<1x128xi32, #tpu.memory_space<vmem>> -> memref<128xi32, #tpu.memory_space<vmem>>
          %dma_wait3A_178 = arith.constant 0 : i32
          %dma_wait3A_179 = arith.constant 0 : i32
          %dma_wait3A_180 = tpu.memref_slice %arg11[%dma_wait3A_178, %dma_wait3A_179] : memref<10240x128xf32, #tpu.memory_space<vmem_shared>> -> memref<10240x128xf32, #tpu.memory_space<vmem_shared>>
          tpu.wait_indirect_dma semaphore(%run_scoped3A : memref<!tpu.dma_semaphore, #tpu.memory_space<semaphore_mem>>) src(%arg10 : memref<128x128xf32, #tpu.memory_space<vmem>>) dst(%dma_wait3A_180 : memref<10240x128xf32, #tpu.memory_space<vmem_shared>>)
          tpu.yield
        }) : () -> ()
        %add3A_145 = arith.constant 7 : i32
        %add3A_146 = arith.addi %mul3A_31, %add3A_145 : i32
        %dma_start3A_147 = arith.constant 0 : i32
        %dma_start3A_148 = tpu.memref_slice %arg7[%add3A_146, %dma_start3A_147] : memref<48x128xi32, #tpu.memory_space<vmem>> -> memref<1x128xi32, #tpu.memory_space<vmem>>
        %dma_start3A_149 = tpu.memref_squeeze %dma_start3A_148 : memref<1x128xi32, #tpu.memory_space<vmem>> -> memref<128xi32, #tpu.memory_space<vmem>>
        %dma_start3A_150 = arith.constant 0 : i32
        %dma_start3A_151 = arith.constant 0 : i32
        %dma_start3A_152 = tpu.memref_slice %arg2[%dma_start3A_150, %dma_start3A_151] : memref<10240x128xf32, #tpu.memory_space<hbm>> -> memref<10240x128xf32, #tpu.memory_space<hbm>>
        tpu.enqueue_indirect_dma source(%dma_start3A_152 : memref<10240x128xf32, #tpu.memory_space<hbm>>) target(%arg10 : memref<128x128xf32, #tpu.memory_space<vmem>>) offsets(%dma_start3A_149 : memref<128xi32, #tpu.memory_space<vmem>>) semaphore(%arg13 : memref<!tpu.dma_semaphore, #tpu.memory_space<semaphore_mem>>)
        %dma_wait3A_153 = arith.constant 0 : i32
        %dma_wait3A_154 = tpu.memref_slice %arg7[%add3A_128, %dma_wait3A_153] : memref<48x128xi32, #tpu.memory_space<vmem>> -> memref<1x128xi32, #tpu.memory_space<vmem>>
        %dma_wait3A_155 = tpu.memref_squeeze %dma_wait3A_154 : memref<1x128xi32, #tpu.memory_space<vmem>> -> memref<128xi32, #tpu.memory_space<vmem>>
        %dma_wait3A_156 = arith.constant 0 : i32
        %dma_wait3A_157 = arith.constant 0 : i32
        %dma_wait3A_158 = tpu.memref_slice %arg2[%dma_wait3A_156, %dma_wait3A_157] : memref<10240x128xf32, #tpu.memory_space<hbm>> -> memref<10240x128xf32, #tpu.memory_space<hbm>>
        tpu.wait_indirect_dma semaphore(%arg12 : memref<!tpu.dma_semaphore, #tpu.memory_space<semaphore_mem>>) src(%dma_wait3A_158 : memref<10240x128xf32, #tpu.memory_space<hbm>>) dst(%arg9 : memref<128x128xf32, #tpu.memory_space<vmem>>)
        %add3A_159 = arith.constant 6 : i32
        %add3A_160 = arith.addi %mul3A_31, %add3A_159 : i32
        "tpu.region"() ({
          %run_scoped3A = tpu.sem_alloc : memref<!tpu.dma_semaphore, #tpu.memory_space<semaphore_mem>>
          %dma_start3A_169 = arith.constant 0 : i32
          %dma_start3A_170 = tpu.memref_slice %arg8[%add3A_160, %dma_start3A_169] : memref<48x128xi32, #tpu.memory_space<vmem>> -> memref<1x128xi32, #tpu.memory_space<vmem>>
          %dma_start3A_171 = tpu.memref_squeeze %dma_start3A_170 : memref<1x128xi32, #tpu.memory_space<vmem>> -> memref<128xi32, #tpu.memory_space<vmem>>
          %dma_start3A_172 = arith.constant 0 : i32
          %dma_start3A_173 = arith.constant 0 : i32
          %dma_start3A_174 = tpu.memref_slice %arg11[%dma_start3A_172, %dma_start3A_173] : memref<10240x128xf32, #tpu.memory_space<vmem_shared>> -> memref<10240x128xf32, #tpu.memory_space<vmem_shared>>
          tpu.enqueue_indirect_dma source(%arg9 : memref<128x128xf32, #tpu.memory_space<vmem>>) target(%dma_start3A_174 : memref<10240x128xf32, #tpu.memory_space<vmem_shared>>) offsets(%dma_start3A_171 : memref<128xi32, #tpu.memory_space<vmem>>) semaphore(%run_scoped3A : memref<!tpu.dma_semaphore, #tpu.memory_space<semaphore_mem>>) {add = true}
          %dma_wait3A_175 = arith.constant 0 : i32
          %dma_wait3A_176 = tpu.memref_slice %arg8[%add3A_160, %dma_wait3A_175] : memref<48x128xi32, #tpu.memory_space<vmem>> -> memref<1x128xi32, #tpu.memory_space<vmem>>
          %dma_wait3A_177 = tpu.memref_squeeze %dma_wait3A_176 : memref<1x128xi32, #tpu.memory_space<vmem>> -> memref<128xi32, #tpu.memory_space<vmem>>
          %dma_wait3A_178 = arith.constant 0 : i32
          %dma_wait3A_179 = arith.constant 0 : i32
          %dma_wait3A_180 = tpu.memref_slice %arg11[%dma_wait3A_178, %dma_wait3A_179] : memref<10240x128xf32, #tpu.memory_space<vmem_shared>> -> memref<10240x128xf32, #tpu.memory_space<vmem_shared>>
          tpu.wait_indirect_dma semaphore(%run_scoped3A : memref<!tpu.dma_semaphore, #tpu.memory_space<semaphore_mem>>) src(%arg9 : memref<128x128xf32, #tpu.memory_space<vmem>>) dst(%dma_wait3A_180 : memref<10240x128xf32, #tpu.memory_space<vmem_shared>>)
          tpu.yield
        }) : () -> ()
        %dma_wait3A_161 = arith.constant 0 : i32
        %dma_wait3A_162 = tpu.memref_slice %arg7[%add3A_146, %dma_wait3A_161] : memref<48x128xi32, #tpu.memory_space<vmem>> -> memref<1x128xi32, #tpu.memory_space<vmem>>
        %dma_wait3A_163 = tpu.memref_squeeze %dma_wait3A_162 : memref<1x128xi32, #tpu.memory_space<vmem>> -> memref<128xi32, #tpu.memory_space<vmem>>
        %dma_wait3A_164 = arith.constant 0 : i32
        %dma_wait3A_165 = arith.constant 0 : i32
        %dma_wait3A_166 = tpu.memref_slice %arg2[%dma_wait3A_164, %dma_wait3A_165] : memref<10240x128xf32, #tpu.memory_space<hbm>> -> memref<10240x128xf32, #tpu.memory_space<hbm>>
        tpu.wait_indirect_dma semaphore(%arg13 : memref<!tpu.dma_semaphore, #tpu.memory_space<semaphore_mem>>) src(%dma_wait3A_166 : memref<10240x128xf32, #tpu.memory_space<hbm>>) dst(%arg10 : memref<128x128xf32, #tpu.memory_space<vmem>>)
        %add3A_167 = arith.constant 7 : i32
        %add3A_168 = arith.addi %mul3A_31, %add3A_167 : i32
        "tpu.region"() ({
          %run_scoped3A = tpu.sem_alloc : memref<!tpu.dma_semaphore, #tpu.memory_space<semaphore_mem>>
          %dma_start3A_169 = arith.constant 0 : i32
          %dma_start3A_170 = tpu.memref_slice %arg8[%add3A_168, %dma_start3A_169] : memref<48x128xi32, #tpu.memory_space<vmem>> -> memref<1x128xi32, #tpu.memory_space<vmem>>
          %dma_start3A_171 = tpu.memref_squeeze %dma_start3A_170 : memref<1x128xi32, #tpu.memory_space<vmem>> -> memref<128xi32, #tpu.memory_space<vmem>>
          %dma_start3A_172 = arith.constant 0 : i32
          %dma_start3A_173 = arith.constant 0 : i32
          %dma_start3A_174 = tpu.memref_slice %arg11[%dma_start3A_172, %dma_start3A_173] : memref<10240x128xf32, #tpu.memory_space<vmem_shared>> -> memref<10240x128xf32, #tpu.memory_space<vmem_shared>>
          tpu.enqueue_indirect_dma source(%arg10 : memref<128x128xf32, #tpu.memory_space<vmem>>) target(%dma_start3A_174 : memref<10240x128xf32, #tpu.memory_space<vmem_shared>>) offsets(%dma_start3A_171 : memref<128xi32, #tpu.memory_space<vmem>>) semaphore(%run_scoped3A : memref<!tpu.dma_semaphore, #tpu.memory_space<semaphore_mem>>) {add = true}
          %dma_wait3A_175 = arith.constant 0 : i32
          %dma_wait3A_176 = tpu.memref_slice %arg8[%add3A_168, %dma_wait3A_175] : memref<48x128xi32, #tpu.memory_space<vmem>> -> memref<1x128xi32, #tpu.memory_space<vmem>>
          %dma_wait3A_177 = tpu.memref_squeeze %dma_wait3A_176 : memref<1x128xi32, #tpu.memory_space<vmem>> -> memref<128xi32, #tpu.memory_space<vmem>>
          %dma_wait3A_178 = arith.constant 0 : i32
          %dma_wait3A_179 = arith.constant 0 : i32
          %dma_wait3A_180 = tpu.memref_slice %arg11[%dma_wait3A_178, %dma_wait3A_179] : memref<10240x128xf32, #tpu.memory_space<vmem_shared>> -> memref<10240x128xf32, #tpu.memory_space<vmem_shared>>
          tpu.wait_indirect_dma semaphore(%run_scoped3A : memref<!tpu.dma_semaphore, #tpu.memory_space<semaphore_mem>>) src(%arg10 : memref<128x128xf32, #tpu.memory_space<vmem>>) dst(%dma_wait3A_180 : memref<10240x128xf32, #tpu.memory_space<vmem_shared>>)
          tpu.yield
        }) : () -> ()
      }
      %scan3A_28 = arith.constant 5 : i32
    }
    %scan3A_9 = arith.constant 2 : i32
    %barrier3A_10 = arith.constant 0 : index
    tpu.barrier barrier_id(%barrier3A_10)
    %mul3A_11 = arith.constant 640 : i32
    %mul3A_12 = arith.muli %arg1, %mul3A_11 : i32
    %mul3A_13 = arith.constant 10240 : i32
    %mul3A_14 = arith.muli %arg0, %mul3A_13 : i32
    %mul3A_15 = arith.constant 640 : i32
    %mul3A_16 = arith.muli %arg1, %mul3A_15 : i32
    %add3A_17 = arith.addi %mul3A_14, %mul3A_16 : i32
    "tpu.region"() ({
      %run_scoped3A = tpu.sem_alloc : memref<!tpu.dma_semaphore, #tpu.memory_space<semaphore_mem>>
      %dma_start3A = arith.constant 0 : i32
      %dma_start3A_18 = tpu.memref_slice %arg6[%add3A_17, %dma_start3A] : memref<20480x128xf32, #tpu.memory_space<hbm>> -> memref<640x128xf32, #tpu.memory_space<hbm>>
      %dma_start3A_19 = arith.constant 0 : i32
      %dma_start3A_20 = tpu.memref_slice %arg11[%mul3A_12, %dma_start3A_19] : memref<10240x128xf32, #tpu.memory_space<vmem_shared>> -> memref<640x128xf32, #tpu.memory_space<vmem_shared>>
      tpu.enqueue_dma source(%dma_start3A_20 : memref<640x128xf32, #tpu.memory_space<vmem_shared>>) target(%dma_start3A_18 : memref<640x128xf32, #tpu.memory_space<hbm>>) target_semaphore(%run_scoped3A : memref<!tpu.dma_semaphore, #tpu.memory_space<semaphore_mem>>)
      %dma_wait3A = arith.constant 0 : i32
      %dma_wait3A_21 = tpu.memref_slice %arg6[%add3A_17, %dma_wait3A] : memref<20480x128xf32, #tpu.memory_space<hbm>> -> memref<640x128xf32, #tpu.memory_space<hbm>>
      %dma_wait3A_22 = arith.constant 0 : i32
      %dma_wait3A_23 = tpu.memref_slice %arg11[%mul3A_12, %dma_wait3A_22] : memref<10240x128xf32, #tpu.memory_space<vmem_shared>> -> memref<640x128xf32, #tpu.memory_space<vmem_shared>>
      tpu.wait_dma2 semaphore(%run_scoped3A : memref<!tpu.dma_semaphore, #tpu.memory_space<semaphore_mem>>) src(%dma_wait3A_23 : memref<640x128xf32, #tpu.memory_space<vmem_shared>>) dst(%dma_wait3A_21 : memref<640x128xf32, #tpu.memory_space<hbm>>)
      tpu.yield
    }) : () -> ()
    return
  }
}

module attributes {stable_mosaic.version = 14 : i64} {
  func.func @_scale_body(%arg0: i32, %arg1: memref<2560x1xf32, #tpu.memory_space<vmem>>, %arg2: memref<2560x1xf32, #tpu.memory_space<vmem>>, %arg3: memref<2560x128xf32, #tpu.memory_space<vmem>>, %arg4: memref<2560x128xf32, #tpu.memory_space<vmem>>, %arg5: memref<2560x1xf32, #tpu.memory_space<vmem>>) attributes {dimension_semantics = [#tpu.dimension_semantics<arbitrary>], iteration_bounds = array<i64: 4>, scalar_prefetch = 0 : i64, scratch_operands = 0 : i64, tpu.core_type = #tpu.core_type<tc>, window_params = [{transform_indices = @transform_0, window_bounds = array<i64: 2560, 1>}, {transform_indices = @transform_1, window_bounds = array<i64: 2560, 1>}, {transform_indices = @transform_2, window_bounds = array<i64: 2560, 128>}, {transform_indices = @transform_3, window_bounds = array<i64: 2560, 128>}, {transform_indices = @transform_4, window_bounds = array<i64: 2560, 1>}]} {
    %get3A = arith.constant 0 : index
    %get3A_0 = arith.constant 0 : index
    %get3A_1 = vector.load %arg1[%get3A, %get3A_0] : memref<2560x1xf32, #tpu.memory_space<vmem>>, vector<2560x1xf32>
    %get3A_2 = arith.constant 0 : index
    %get3A_3 = arith.constant 0 : index
    %get3A_4 = vector.load %arg2[%get3A_2, %get3A_3] : memref<2560x1xf32, #tpu.memory_space<vmem>>, vector<2560x1xf32>
    %add3A = arith.addf %get3A_1, %get3A_4 : vector<2560x1xf32>
    %add3A_5 = arith.constant 1.000000e+00 : f32
    %add3A_6 = vector.broadcast %add3A_5 : f32 to vector<2560x1xf32>
    %add3A_7 = arith.addf %add3A, %add3A_6 : vector<2560x1xf32>
    %rsqrt3A = math.rsqrt %add3A_7 : vector<2560x1xf32>
    %swap3A = arith.constant 0 : index
    %swap3A_8 = arith.constant 0 : index
    %swap3A_9 = vector.load %arg5[%swap3A, %swap3A_8] : memref<2560x1xf32, #tpu.memory_space<vmem>>, vector<2560x1xf32>
    tpu.vector_store %arg5[%swap3A, %swap3A_8], %rsqrt3A {strides = array<i32>} : memref<2560x1xf32, #tpu.memory_space<vmem>>, vector<2560x1xf32>,
    %get3A_10 = arith.constant 0 : index
    %get3A_11 = arith.constant 0 : index
    %get3A_12 = vector.load %arg3[%get3A_10, %get3A_11] : memref<2560x128xf32, #tpu.memory_space<vmem>>, vector<2560x128xf32>
    %mul3A = vector.broadcast %rsqrt3A : vector<2560x1xf32> to vector<2560x128xf32>
    %mul3A_13 = arith.mulf %get3A_12, %mul3A : vector<2560x128xf32>
    %swap3A_14 = arith.constant 0 : index
    %swap3A_15 = arith.constant 0 : index
    %swap3A_16 = vector.load %arg4[%swap3A_14, %swap3A_15] : memref<2560x128xf32, #tpu.memory_space<vmem>>, vector<2560x128xf32>
    tpu.vector_store %arg4[%swap3A_14, %swap3A_15], %mul3A_13 {strides = array<i32>} : memref<2560x128xf32, #tpu.memory_space<vmem>>, vector<2560x128xf32>,
    return
  }
  func.func @transform_0(%arg0: i32) -> (i32, i32) {
    %c0_i32 = arith.constant 0 : i32
    %c0_i32_0 = arith.constant 0 : i32
    return %arg0, %c0_i32 : i32, i32
  }
  func.func @transform_1(%arg0: i32) -> (i32, i32) {
    %c0_i32 = arith.constant 0 : i32
    %c0_i32_0 = arith.constant 0 : i32
    return %arg0, %c0_i32 : i32, i32
  }
  func.func @transform_2(%arg0: i32) -> (i32, i32) {
    %c0_i32 = arith.constant 0 : i32
    %c0_i32_0 = arith.constant 0 : i32
    return %arg0, %c0_i32 : i32, i32
  }
  func.func @transform_3(%arg0: i32) -> (i32, i32) {
    %c0_i32 = arith.constant 0 : i32
    %c0_i32_0 = arith.constant 0 : i32
    return %arg0, %c0_i32 : i32, i32
  }
  func.func @transform_4(%arg0: i32) -> (i32, i32) {
    %c0_i32 = arith.constant 0 : i32
    %c0_i32_0 = arith.constant 0 : i32
    return %arg0, %c0_i32 : i32, i32
  }
}

module attributes {stable_mosaic.version = 14 : i64} {
  func.func @_mm1_body(%arg0: i32, %arg1: memref<2560x128xf32, #tpu.memory_space<vmem>>, %arg2: memref<2560x128xf32, #tpu.memory_space<vmem>>, %arg3: memref<2560x128xf32, #tpu.memory_space<vmem>>, %arg4: memref<2560x1xf32, #tpu.memory_space<vmem>>, %arg5: memref<128x128xf32, #tpu.memory_space<vmem>>, %arg6: memref<1x128xf32, #tpu.memory_space<vmem>>, %arg7: memref<2560x128xf32, #tpu.memory_space<vmem>>) attributes {dimension_semantics = [#tpu.dimension_semantics<arbitrary>], iteration_bounds = array<i64: 4>, scalar_prefetch = 0 : i64, scratch_operands = 0 : i64, tpu.core_type = #tpu.core_type<tc>, window_params = [{transform_indices = @transform_0, window_bounds = array<i64: 2560, 128>}, {transform_indices = @transform_1, window_bounds = array<i64: 2560, 128>}, {transform_indices = @transform_2, window_bounds = array<i64: 2560, 128>}, {transform_indices = @transform_3, window_bounds = array<i64: 2560, 1>}, {pipeline_mode = #tpu.pipeline_mode<synchronous>, transform_indices = @transform_4, window_bounds = array<i64: 128, 128>}, {pipeline_mode = #tpu.pipeline_mode<synchronous>, transform_indices = @transform_5, window_bounds = array<i64: 1, 128>}, {transform_indices = @transform_6, window_bounds = array<i64: 2560, 128>}]} {
    %get3A = arith.constant 0 : index
    %get3A_0 = arith.constant 0 : index
    %get3A_1 = vector.load %arg4[%get3A, %get3A_0] : memref<2560x1xf32, #tpu.memory_space<vmem>>, vector<2560x1xf32>
    %get3A_2 = arith.constant 0 : index
    %get3A_3 = arith.constant 0 : index
    %get3A_4 = vector.load %arg1[%get3A_2, %get3A_3] : memref<2560x128xf32, #tpu.memory_space<vmem>>, vector<2560x128xf32>
    %get3A_5 = arith.constant 0 : index
    %get3A_6 = arith.constant 0 : index
    %get3A_7 = vector.load %arg2[%get3A_5, %get3A_6] : memref<2560x128xf32, #tpu.memory_space<vmem>>, vector<2560x128xf32>
    %add3A = arith.addf %get3A_4, %get3A_7 : vector<2560x128xf32>
    %get3A_8 = arith.constant 0 : index
    %get3A_9 = arith.constant 0 : index
    %get3A_10 = vector.load %arg3[%get3A_8, %get3A_9] : memref<2560x128xf32, #tpu.memory_space<vmem>>, vector<2560x128xf32>
    %add3A_11 = arith.addf %add3A, %get3A_10 : vector<2560x128xf32>
    %mul3A = vector.broadcast %get3A_1 : vector<2560x1xf32> to vector<2560x128xf32>
    %mul3A_12 = arith.mulf %mul3A, %add3A_11 : vector<2560x128xf32>
    %get3A_13 = arith.constant 0 : index
    %get3A_14 = arith.constant 0 : index
    %get3A_15 = vector.load %arg5[%get3A_13, %get3A_14] : memref<128x128xf32, #tpu.memory_space<vmem>>, vector<128x128xf32>
    %dot_general3A = arith.constant dense<0.000000e+00> : vector<2560x128xf32>
    %dot_general3A_16 = tpu.matmul %mul3A_12, %get3A_15, %dot_general3A {dimension_numbers = #tpu.dot_dimension_numbers<[1], [0], [0], [1], [0, 0, 1, 1], [], []>, transpose_lhs_hint = false} : vector<2560x128xf32>, vector<128x128xf32>, vector<2560x128xf32> -> vector<2560x128xf32>
    %get3A_17 = arith.constant 0 : index
    %get3A_18 = arith.constant 0 : index
    %get3A_19 = vector.load %arg6[%get3A_17, %get3A_18] : memref<1x128xf32, #tpu.memory_space<vmem>>, vector<1x128xf32>
    %add3A_20 = vector.broadcast %get3A_19 : vector<1x128xf32> to vector<2560x128xf32>
    %add3A_21 = arith.addf %dot_general3A_16, %add3A_20 : vector<2560x128xf32>
    %max3A = arith.constant 0.000000e+00 : f32
    %max3A_22 = vector.broadcast %max3A : f32 to vector<2560x128xf32>
    %max3A_23 = arith.maximumf %add3A_21, %max3A_22 : vector<2560x128xf32>
    %mul3A_24 = vector.broadcast %get3A_1 : vector<2560x1xf32> to vector<2560x128xf32>
    %mul3A_25 = arith.mulf %max3A_23, %mul3A_24 : vector<2560x128xf32>
    %swap3A = arith.constant 0 : index
    %swap3A_26 = arith.constant 0 : index
    %swap3A_27 = vector.load %arg7[%swap3A, %swap3A_26] : memref<2560x128xf32, #tpu.memory_space<vmem>>, vector<2560x128xf32>
    tpu.vector_store %arg7[%swap3A, %swap3A_26], %mul3A_25 {strides = array<i32>} : memref<2560x128xf32, #tpu.memory_space<vmem>>, vector<2560x128xf32>,
    return
  }
  func.func @transform_0(%arg0: i32) -> (i32, i32) {
    %c0_i32 = arith.constant 0 : i32
    %c0_i32_0 = arith.constant 0 : i32
    return %arg0, %c0_i32 : i32, i32
  }
  func.func @transform_1(%arg0: i32) -> (i32, i32) {
    %c0_i32 = arith.constant 0 : i32
    %c0_i32_0 = arith.constant 0 : i32
    return %arg0, %c0_i32 : i32, i32
  }
  func.func @transform_2(%arg0: i32) -> (i32, i32) {
    %c0_i32 = arith.constant 0 : i32
    %c0_i32_0 = arith.constant 0 : i32
    return %arg0, %c0_i32 : i32, i32
  }
  func.func @transform_3(%arg0: i32) -> (i32, i32) {
    %c0_i32 = arith.constant 0 : i32
    %c0_i32_0 = arith.constant 0 : i32
    return %arg0, %c0_i32 : i32, i32
  }
  func.func @transform_4(%arg0: i32) -> (i32, i32) {
    %c0_i32 = arith.constant 0 : i32
    %c0_i32_0 = arith.constant 0 : i32
    %c0_i32_1 = arith.constant 0 : i32
    return %c0_i32, %c0_i32_0 : i32, i32
  }
  func.func @transform_5(%arg0: i32) -> (i32, i32) {
    %c0_i32 = arith.constant 0 : i32
    %c0_i32_0 = arith.constant 0 : i32
    %c0_i32_1 = arith.constant 0 : i32
    return %c0_i32, %c0_i32_0 : i32, i32
  }
  func.func @transform_6(%arg0: i32) -> (i32, i32) {
    %c0_i32 = arith.constant 0 : i32
    %c0_i32_0 = arith.constant 0 : i32
    return %arg0, %c0_i32 : i32, i32
  }
}

module attributes {stable_mosaic.version = 14 : i64} {
  func.func @_mm2_body(%arg0: i32, %arg1: memref<2560x128xf32, #tpu.memory_space<vmem>>, %arg2: memref<2560x128xf32, #tpu.memory_space<vmem>>, %arg3: memref<2560x128xf32, #tpu.memory_space<vmem>>, %arg4: memref<2560x1xf32, #tpu.memory_space<vmem>>, %arg5: memref<128x256xf32, #tpu.memory_space<vmem>>, %arg6: memref<1x256xf32, #tpu.memory_space<vmem>>, %arg7: memref<2560x256xf32, #tpu.memory_space<vmem>>) attributes {dimension_semantics = [#tpu.dimension_semantics<arbitrary>], iteration_bounds = array<i64: 4>, scalar_prefetch = 0 : i64, scratch_operands = 0 : i64, tpu.core_type = #tpu.core_type<tc>, window_params = [{transform_indices = @transform_0, window_bounds = array<i64: 2560, 128>}, {transform_indices = @transform_1, window_bounds = array<i64: 2560, 128>}, {transform_indices = @transform_2, window_bounds = array<i64: 2560, 128>}, {transform_indices = @transform_3, window_bounds = array<i64: 2560, 1>}, {pipeline_mode = #tpu.pipeline_mode<synchronous>, transform_indices = @transform_4, window_bounds = array<i64: 128, 256>}, {pipeline_mode = #tpu.pipeline_mode<synchronous>, transform_indices = @transform_5, window_bounds = array<i64: 1, 256>}, {transform_indices = @transform_6, window_bounds = array<i64: 2560, 256>}]} {
    %get3A = arith.constant 0 : index
    %get3A_0 = arith.constant 0 : index
    %get3A_1 = vector.load %arg4[%get3A, %get3A_0] : memref<2560x1xf32, #tpu.memory_space<vmem>>, vector<2560x1xf32>
    %get3A_2 = arith.constant 0 : index
    %get3A_3 = arith.constant 0 : index
    %get3A_4 = vector.load %arg1[%get3A_2, %get3A_3] : memref<2560x128xf32, #tpu.memory_space<vmem>>, vector<2560x128xf32>
    %get3A_5 = arith.constant 0 : index
    %get3A_6 = arith.constant 0 : index
    %get3A_7 = vector.load %arg2[%get3A_5, %get3A_6] : memref<2560x128xf32, #tpu.memory_space<vmem>>, vector<2560x128xf32>
    %add3A = arith.addf %get3A_4, %get3A_7 : vector<2560x128xf32>
    %get3A_8 = arith.constant 0 : index
    %get3A_9 = arith.constant 0 : index
    %get3A_10 = vector.load %arg3[%get3A_8, %get3A_9] : memref<2560x128xf32, #tpu.memory_space<vmem>>, vector<2560x128xf32>
    %add3A_11 = arith.addf %add3A, %get3A_10 : vector<2560x128xf32>
    %mul3A = vector.broadcast %get3A_1 : vector<2560x1xf32> to vector<2560x128xf32>
    %mul3A_12 = arith.mulf %mul3A, %add3A_11 : vector<2560x128xf32>
    %get3A_13 = arith.constant 0 : index
    %get3A_14 = arith.constant 0 : index
    %get3A_15 = vector.load %arg5[%get3A_13, %get3A_14] : memref<128x256xf32, #tpu.memory_space<vmem>>, vector<128x256xf32>
    %dot_general3A = arith.constant dense<0.000000e+00> : vector<2560x256xf32>
    %dot_general3A_16 = tpu.matmul %mul3A_12, %get3A_15, %dot_general3A {dimension_numbers = #tpu.dot_dimension_numbers<[1], [0], [0], [1], [0, 0, 1, 1], [], []>, transpose_lhs_hint = false} : vector<2560x128xf32>, vector<128x256xf32>, vector<2560x256xf32> -> vector<2560x256xf32>
    %get3A_17 = arith.constant 0 : index
    %get3A_18 = arith.constant 0 : index
    %get3A_19 = vector.load %arg6[%get3A_17, %get3A_18] : memref<1x256xf32, #tpu.memory_space<vmem>>, vector<1x256xf32>
    %add3A_20 = vector.broadcast %get3A_19 : vector<1x256xf32> to vector<2560x256xf32>
    %add3A_21 = arith.addf %dot_general3A_16, %add3A_20 : vector<2560x256xf32>
    %swap3A = arith.constant 0 : index
    %swap3A_22 = arith.constant 0 : index
    %swap3A_23 = vector.load %arg7[%swap3A, %swap3A_22] : memref<2560x256xf32, #tpu.memory_space<vmem>>, vector<2560x256xf32>
    tpu.vector_store %arg7[%swap3A, %swap3A_22], %add3A_21 {strides = array<i32>} : memref<2560x256xf32, #tpu.memory_space<vmem>>, vector<2560x256xf32>,
    return
  }
  func.func @transform_0(%arg0: i32) -> (i32, i32) {
    %c0_i32 = arith.constant 0 : i32
    %c0_i32_0 = arith.constant 0 : i32
    return %arg0, %c0_i32 : i32, i32
  }
  func.func @transform_1(%arg0: i32) -> (i32, i32) {
    %c0_i32 = arith.constant 0 : i32
    %c0_i32_0 = arith.constant 0 : i32
    return %arg0, %c0_i32 : i32, i32
  }
  func.func @transform_2(%arg0: i32) -> (i32, i32) {
    %c0_i32 = arith.constant 0 : i32
    %c0_i32_0 = arith.constant 0 : i32
    return %arg0, %c0_i32 : i32, i32
  }
  func.func @transform_3(%arg0: i32) -> (i32, i32) {
    %c0_i32 = arith.constant 0 : i32
    %c0_i32_0 = arith.constant 0 : i32
    return %arg0, %c0_i32 : i32, i32
  }
  func.func @transform_4(%arg0: i32) -> (i32, i32) {
    %c0_i32 = arith.constant 0 : i32
    %c0_i32_0 = arith.constant 0 : i32
    %c0_i32_1 = arith.constant 0 : i32
    return %c0_i32, %c0_i32_0 : i32, i32
  }
  func.func @transform_5(%arg0: i32) -> (i32, i32) {
    %c0_i32 = arith.constant 0 : i32
    %c0_i32_0 = arith.constant 0 : i32
    %c0_i32_1 = arith.constant 0 : i32
    return %c0_i32, %c0_i32_0 : i32, i32
  }
  func.func @transform_6(%arg0: i32) -> (i32, i32) {
    %c0_i32 = arith.constant 0 : i32
    %c0_i32_0 = arith.constant 0 : i32
    return %arg0, %c0_i32 : i32, i32
  }
}

</mosaic_0001>

<sc_bundles>
// kernel: kernel.11.cloned.1.call-start
scs
__scs_entry_jumppad:
0x0: {  	(pc) =	sbr.rel $0x88, $3  }
0x1: {  	(tag) =	ssettag $0x0;
	lr =	simm.s32 $0x1  }
0x2: {  	[smem:$0x3F9B] =	sst lr;
	_ =	strace $0xD0000000  }
0x3: {  	_ = 	snop  }
0x4: {  	_ = 	snop  }
0x5: {  	_ = 	snop  }
0x6: {  	_ = 	snop  }
0x7: {  	_ = 	snop  }
__scs_overlays_trampoline_lowered:
0x8: {  	[smem:$0x3FAA] =	sst s0  }
0x9: {  	[smem:$0x3FAB] =	sst s1  }
0xa: {  	[smem:$0x3FAC] =	sst s2  }
0xb: {  	[smem:$0x3FAD] =	sst s3  }
0xc: {  	[smem:$0x3FAE] =	sst s4  }
0xd: {  	[smem:$0x3FAF] =	sst s5  }
0xe: {  	[smem:$0x3FB0] =	sst s6  }
0xf: {  	[smem:$0x3FB1] =	sst s7  }
0x10: {  	[smem:$0x3FB2] =	sst s8  }
0x11: {  	[smem:$0x3FB3] =	sst s9;
	s0 =	simm.s32 @!p0 $0x0  }
0x12: {  	s1 =	sld [smem:$0x3F99];
	s0 =	simm.s32 @p0 $0x1  }
0x13: {  	[smem:$0x3FB4] =	sst s0;
	s0 =	simm.s32 @!p1 $0x0  }
0x14: {  	s2 =	sld [smem:$0x3F98];
	s0 =	simm.s32 @p1 $0x1  }
0x15: {  	[smem:$0x3FB5] =	sst s0;
	s0 =	simm.s32 @!p2 $0x0  }
0x16: {  	s3 =	sld [smem:$0x3FDB];
	s0 =	simm.s32 @p2 $0x1  }
0x17: {  	s4 =	simm.s32 $0x1BF5;
	[smem:$0x3FB7] =	sst s0  }
0x18: {  	s0 =	sld [smem:$0x3F9A];
	_ =	swait.ge [sflag:s4], $0x0  }
0x19: {  	s7 =	sld [smem:$0x3F9B]  }
0x1a: {  	s8 =	sadd.s32 $0xFFFFE003, lr  }
0x1b: {  	s9 =	sadd.s32 $0xFFFFFEF7, lr;
	s5 =	simm.s32 $0xFFFFFFFF;
	p2 =	slt.u32 s8, $0xFFFFF086  }
0x1c: {  	p1 =	slt.u32 s9, $0xF7A;
	s5 =	simm.s32 @!p2 $0x0  }
0x1d: {  	s5 =	simm.s32 @p1 $0x1;
	p0 =	seq.s32 s7, s2  }
0x1e: {  	s7 =	smul.u32 @!p0 $0xF7A, s2;
	p2 =	seq.s32 @!p0 s5, $0x0  }
0x1f: {  	s9 =	smul.u32 $0xF7A, s1;
	s8 =	simm.s32 @!p0 $0x1BF5;
	p2 =	por !p2, p0  }
0x20: {  	[sflag:s8] =	ssyncset.s32 @!p0 $0xFFFFF086;
	s6 =	sadd.s32 @!p0 s3, s7;
	s7 =	simm.s32 @!p0 $0x108  }
0x21: {  	s3 =	sadd.s32 s3, s9;
	s6 =	sadd.s32 @!p0 $0x88, s6;
	s7 =	simm.s32 @p2 $0x1082  }
0x22: {  	[simem:s7], [sflag:s8] =	dma.local @!p0 [hbm:s6], $0xF7A  }
0x23: {  	s9 =	sor.u32 $0xD0000000, s2;
	s6 =	simm.s32 $0x108;
	_ =	swait.ge @!p0 [sflag:s8], $0x0  }
0x24: {  	s3 =	sadd.s32 $0x88, s3;
	s6 =	simm.s32 @!p1 $0x1082;
	[sflag:s4] =	ssyncset.s32 $0xFFFFF086  }
0x25: {  	[simem:s6], [sflag:s4] =	dma.local [hbm:s3], $0xF7A  }
0x26: {  	[smem:$0x3F9B] =	sst s1;
	(tag) =	ssettag s2;
	_ =	strace s9  }
0x27: {  	s1 =	sld [smem:$0x3FAB]  }
0x28: {  	s2 =	sld [smem:$0x3FAC]  }
0x29: {  	s4 =	sld [smem:$0x3FAE]  }
0x2a: {  	p0 =	seq.s32 s5, $0x0;
	s5 =	sld [smem:$0x3FAF]  }
0x2b: {  	s6 =	sld [smem:$0x3FB0]  }
0x2c: {  	s7 =	sld [smem:$0x3FB1]  }
0x2d: {  	s3 =	simm.s32 $0x108;
	s8 =	sld [smem:$0x3FB2]  }
0x2e: {  	s3 =	simm.s32 @!p0 $0x1082;
	s9 =	sld [smem:$0x3FB3]  }
0x2f: {  	lr =	sadd.s32 s0, s3;
	s0 =	sld [smem:$0x3FAA]  }
0x30: {  	s3 =	sld [smem:$0x3FAD]  }
0x31: {  	[smem:$0x3FB6] =	sst s10  }
0x32: {  	s10 =	sld [smem:$0x3FB4];
	_ =	sdelay $0x3  }
0x33: {  	p0 =	seq.s32 s10, $0x1;
	s10 =	sld [smem:$0x3FB6];
	_ =	sdelay $0x3  }
0x34: {  	[smem:$0x3FB6] =	sst s10  }
0x35: {  	s10 =	sld [smem:$0x3FB5];
	_ =	sdelay $0x3  }
0x36: {  	p1 =	seq.s32 s10, $0x1;
	s10 =	sld [smem:$0x3FB6];
	_ =	sdelay $0x3  }
0x37: {  	[smem:$0x3FB6] =	sst s10  }
0x38: {  	s10 =	sld [smem:$0x3FB7]  }
0x39: {  	_ = 	snop;
	(pc) =	sbr.ind lr, $3  }
0x3a: {  	_ = 	snop  }
0x3b: {  	_ = 	snop  }
0x3c: {  	p2 =	seq.s32 s10, $0x1;
	s10 =	sld [smem:$0x3FB6]  }
0x3d: {  	_ =	shalt  }
0x3e: {  	_ =	shalt  }
0x3f: {  	_ =	shalt  }
0x40: {  	_ =	shalt  }
0x41: {  	_ =	shalt  }
0x42: {  	_ =	shalt  }
0x43: {  	_ =	shalt  }
0x44: {  	_ =	shalt  }
0x45: {  	_ =	shalt  }
0x46: {  	_ =	shalt  }
0x47: {  	_ =	shalt  }
0x48: {  	_ =	shalt  }
0x49: {  	_ =	shalt  }
0x4a: {  	_ =	shalt  }
0x4b: {  	_ =	shalt  }
0x4c: {  	_ =	shalt  }
0x4d: {  	_ =	shalt  }
0x4e: {  	_ =	shalt  }
0x4f: {  	_ =	shalt  }
0x50: {  	_ =	shalt  }
0x51: {  	_ =	shalt  }
0x52: {  	_ =	shalt  }
0x53: {  	_ =	shalt  }
0x54: {  	_ =	shalt  }
0x55: {  	_ =	shalt  }
0x56: {  	_ =	shalt  }
0x57: {  	_ =	shalt  }
0x58: {  	_ =	shalt  }
0x59: {  	_ =	shalt  }
0x5a: {  	_ =	shalt  }
0x5b: {  	_ =	shalt  }
0x5c: {  	_ =	shalt  }
0x5d: {  	_ =	shalt  }
0x5e: {  	_ =	shalt  }
0x5f: {  	_ =	shalt  }
0x60: {  	_ =	shalt  }
0x61: {  	_ =	shalt  }
0x62: {  	_ =	shalt  }
0x63: {  	_ =	shalt  }
0x64: {  	_ =	shalt  }
0x65: {  	_ =	shalt  }
0x66: {  	_ =	shalt  }
0x67: {  	_ =	shalt  }
0x68: {  	_ =	shalt  }
0x69: {  	_ =	shalt  }
0x6a: {  	_ =	shalt  }
0x6b: {  	_ =	shalt  }
0x6c: {  	_ =	shalt  }
0x6d: {  	_ =	shalt  }
0x6e: {  	_ =	shalt  }
0x6f: {  	_ =	shalt  }
0x70: {  	_ =	shalt  }
0x71: {  	_ =	shalt  }
0x72: {  	_ =	shalt  }
0x73: {  	_ =	shalt  }
0x74: {  	_ =	shalt  }
0x75: {  	_ =	shalt  }
0x76: {  	_ =	shalt  }
0x77: {  	_ =	shalt  }
0x78: {  	_ =	shalt  }
0x79: {  	_ =	shalt  }
0x7a: {  	_ =	shalt  }
0x7b: {  	_ =	shalt  }
0x7c: {  	_ =	shalt  }
0x7d: {  	_ =	shalt  }
0x7e: {  	_ =	shalt  }
0x7f: {  	_ =	shalt  }
0x80: {  	_ =	shalt  }
0x81: {  	_ =	shalt  }
0x82: {  	_ =	shalt  }
0x83: {  	_ =	shalt  }
0x84: {  	_ =	shalt  }
0x85: {  	_ =	shalt  }
0x86: {  	_ =	shalt  }
0x87: {  	_ =	shalt  }
.Lfunc_end0:
.L_simem_size_0:
called_computation.1_lowered:
.L_overlay_start_0:
0x88: {  	s2 =	sld [smem:$0x3FD9]  }
0x89: {  	s3 =	sld [smem:$0x3FFE];
	_ =	sdelay $0x1  }
0x8a: {  	s1 =	srdreg.scid  }
0x8b: {  	s0 =	sand.u32 $0x1, s1  }
0x8c: {  	s17 =	sshll.u32 s0, $0xA;
	s2 =	sadd.s32 s3, s2  }
0x8d: {  	s2 =	sadd.s32 s2, s17  }
0x8e: {  	[smem:$0x3FC2] =	sst s2  }
0x8f: {  	_ = 	snop  }
0x90: {  	s2 =	sld [smem:$0x3FD0];
	(tm) =	ssettm $0x1  }
0x91: {  	s18 =	sld [smem:$0x3FFB];
	_ =	sdelay $0x3  }
0x92: {  	_ =	strace s18  }
0x93: {  	s3 =	sld [smem:$0x3FFC];
	_ =	sdelay $0x3  }
0x94: {  	_ =	strace s3  }
0x95: {  	s3 =	sld [smem:$0x3FFD];
	_ =	sdelay $0x3  }
0x96: {  	_ =	strace s3  }
0x97: {  	_ =	strace $0x8FFFFFFF  }
0x98: {  	s19 =	sld [smem:$0x3FDB];
	_ =	sdelay $0x1  }
0x99: {  	s4 =	simm.s32 $_scs_section_size  }
0x9a: {  	s5 =	simm.s32 $_size__tile_overlayer_lowered;
	s6 =	simm.s32 $_tile_overlayer_lowered  }
0x9b: {  	s22 =	simm.s32 $0x1BFF;
	s21 =	sshll.u32 s6, $0x1;
	s3 =	sadd.s32 s4, s19  }
0x9c: {  	s7 =	simm.s32 $0x0;
	s20 =	sshll.u32 s5, $0x1;
	s5 =	sadd.s32 s21, s3  }
0x9d: {  	[timem:s7], [sflag:s22] =	dma.local [hbm:s5], s20  }
0x9e: {  	_ =	swait.ge [sflag:s22], s20  }
0x9f: {  	s4 =	ssub.s32 $0x0, s20;
	[sflag:s22] =	ssyncset.done $0x0  }
0xa0: {  	[sflag:s22] =	ssyncadd.s32 s4;
	_ =	sdelay $0x1  }
0xa1: {  	s23 =	simm.s32 $0x1B8B  }
0xa2: {  	_ =	swait.ge [sflag:s23], $0x1  }
0xa3: {  	[sflag:s23] =	ssyncset.done $0x0  }
0xa4: {  	s25 =	simm.s32 $0x1B8E;
	s24 =	sld [smem:$0x3FFE];
	[sflag:s23] =	ssyncadd.s32 $0xFFFFFFFF  }
0xa5: {  	s26 =	simm.s32 $execute0_lowered;
	[smem:$0x3FD2] =	sst s25  }
0xa6: {  	s5 =	sshll.u32 s26, $0x1;
	_ =	strace $0x80000049;
	[dreg:$0x1] =	wrdreg $0xFFFFFFFF  }
0xa7: {  	s28 =	simm.s32 $_size_execute0_lowered;
	s3 =	sadd.s32 s3, s5;
	[dreg:$0x0] =	wrdreg $0x0  }
0xa8: {  	s5 =	sshll.u32 s28, $0x1;
	[dreg:$0x2] =	wrdreg s3  }
0xa9: {  	[dreg:$0x3] =	wrdreg s5  }
0xaa: {  	[dreg:$0x4] =	wrdreg $0xC0  }
0xab: {  	_ =	task [dreg:s7], $0x5FFFF  }
0xac: {  	[dreg:$0x1] =	wrdreg $0xFFFFFFFF  }
0xad: {  	[dreg:$0x0] =	wrdreg $0x60  }
0xae: {  	[dreg:$0x2] =	wrdreg s24  }
0xaf: {  	[dreg:$0x3] =	wrdreg s2  }
0xb0: {  	[dreg:$0x4] =	wrdreg $0xB0000  }
0xb1: {  	[dreg:$0x5] =	wrdreg $0x9  }
0xb2: {  	_ =	task.clear_ibuf [dreg:s7], $0x6FFFF;
	_ =	strace $0x90000049  }
0xb3: {  	s29 =	simm.s32 $0x9;
	_ =	strace $0x8000004B  }
0xb4: {  	_ =	swait.ge [sflag:s29], $0x1  }
0xb5: {  	[sflag:s29] =	ssyncadd.s32 $0xFFFFFFFF  }
0xb6: {  	_ =	strace $0x9000004B  }
0xb7: {  	_ =	sfence  }
0xb8: {  	s30 =	sld [smem:$0x0];
	_ =	sdelay $0x2  }
0xb9: {  	s31 =	sshll.u32 s1, $0xD;
	s1 =	sshrl.u32 s1, $0x2  }
0xba: {  	s3 =	sand.u32 $0x4000, s31;
	s1 =	sadd.s32 s1, s30  }
0xbb: {  	s0 =	sor.u32 s3, s0;
	s1 =	sshll.u32 s1, $0x11  }
0xbc: {  	s0 =	sor.u32 s1, s0  }
0xbd: {  	s0 =	sadd.s32 $0x8F2B, s0  }
0xbe: {  	[sflag:s0] =	ssyncadd.remote.s32 $0x1  }
0xbf: {  	_ =	sfence.sel $0xFFFF  }
0xc0: {  	[dreg:$0x0] =	wrdreg $0xFFFFFFFF;
	(pc) =	sbr.abs _section_cstart, $3  }
0xc1: {  	[dreg:$0x1] =	wrdreg $0xFFFFFFFF  }
0xc2: {  	_ =	task.clear_ibuf [dreg:s7], $0x2FFFF;
	_ =	strace $0x9FFFFFFF  }
0xc3: {  	(tm) =	ssettm $0x7FFFFFFF  }
tec
execute0_lowered:
.L_overlay_start_1:
0x0: {  	(tag) =	ssettag $0x1  }
0x1: {  	s7 =	rddreg [dreg:$0x0]  }
0x2: {  	s8 =	rddreg [dreg:$0x1]  }
0x3: {  	s2 =	rddreg [dreg:$0x2]  }
0x4: {  	s0 =	rddreg [dreg:$0x3];
	s3 =	simm.s32 $0x0;
	s4 =	srdreg.scid  }
0x5: {  	s1 =	stileid.u32;
	s15 =	simm.s32 $0x80;
	s16 =	simm.s32 $0x3000  }
0x6: {  	s17 =	simm.s32 $0x7000;
	s18 =	simm.s32 $0x1;
	s19 =	simm.s32 $0x2  }
0x7: {  	[smem:$0x7FF] =	sst s3;
	s9 =	sand.u32 $0x1, s4;
	s10 =	smul.u32 $0x2800, s1  }
0x8: {  	s4 =	sadd.s32 $0x1BE00, s7;
	s5 =	sadd.s32 $0x3E00, s7;
	s6 =	sadd.s32 $0xFE00, s7  }
0x9: {  	s13 =	smul.u32 $0x50000, s1;
	s14 =	sshll.u32 s1, $0x1;
	s31 =	sshll.u32 s1, $0x6  }
0xa: {  	_ =	strace $0x8000004A;
	s11 =	smul.u32 $0x28000, s9;
	s12 =	ssub.s32 $0x2, s9  }
0xb: {  	s9 =	sor.u32 s9, s14;
	s14 =	simm.s32 $0x1800;
	s29 =	sshrl.u32 s12, $0x1  }
0xc: {  	s30 =	sshrl.u32 s13, $0x2;
	s9 =	smul.u32 $0x3000, s9;
	s11 =	sadd.s32 s10, s11  }
0xd: {  	s12 =	ssub.s32 s12, s29;
	s13 =	sadd.s32 s30, s2;
	s11 =	sadd.s32 s11, s7  }
0xe: {  	s7 =	sadd.s32 s8, s10;
	s8 =	sor.u32 $0x1C03, s31;
	s10 =	sadd.s32 $0x6BE00, s11  }
0xf: {  	s11 =	smax.u32 s12, $0x1;
	s12 =	sshrl.u32 s13, $0x3;
	s13 =	simm.s32 $0x3  }
.LBB2_1:
0x10: {  	[spmem:s12], [sflag:s8] =	dma.local [hbm:s7], $0x2800  }
0x11: {  	_ =	swait.ge [sflag:s13], $0x2800  }
0x12: {  	[sflag:s13] =	ssyncset.done $0x0  }
0x13: {  	[sflag:s13] =	ssyncadd.s32 $0xFFFFD800  }
0x14: {  	p1 =	por $0x1, $0x1;
	s20 =	simm.s32 $0x0;
	[bflag:$0x0] =	sbarrier.arrive $0xFFFF  }
.LBB2_2:
0x15: {  	s20 =	sadd.s32 s9, s20  }
0x16: {  	s20 =	sshrl.u32 s20, $0x3  }
0x17: {  	s22 =	simm.s32 $0x0;
	s21 =	sadd.s32 s5, s20  }
0x18: {  	[tilespmem:s22], [sflag:$0x3] =	stream.linear.gather [hbm4b:s21+s22], $0x1800, $0x38;
	[tilespmem:$0x1F000] =	vst v63  }
0x19: {  	_ =	swait.ge [sflag:s13], $0x1800  }
0x1a: {  	[sflag:s13] =	ssyncset.done $0x0  }
0x1b: {  	s20 =	sadd.s32 s6, s20;
	[sflag:s13] =	ssyncadd.s32 $0xFFFFE800  }
0x1c: {  	[tilespmem:s14], [sflag:$0x3] =	stream.linear.gather [hbm4b:s20+s22], $0x1800, $0x38;
	[tilespmem:$0x1F000] =	vst v63  }
0x1d: {  	_ =	swait.ge [sflag:s13], $0x1800  }
0x1e: {  	[sflag:s13] =	ssyncset.done $0x0  }
0x1f: {  	s25 =	simm.s32 $0x0;
	[sflag:s13] =	ssyncadd.s32 $0xFFFFE800  }
0x20: {  	[tilespmem:s16], [sflag:$0x1] =	stream.indirect.gather [hbm4b:s4+s15], $0x80, s25, s15, $0xb8;
	[tilespmem:$0x1F000] =	vst v63  }
0x21: {  	s26 =	simm.s32 $0x80  }
0x22: {  	[tilespmem:s17], [sflag:$0x2] =	stream.indirect.gather [hbm4b:s4+s15], $0x80, s26, s15, $0xb8;
	[tilespmem:$0x1F000] =	vst v63  }
0x23: {  	_ =	swait.ge [sflag:s18], $0x4000  }
0x24: {  	[sflag:s18] =	ssyncset.done $0x0  }
0x25: {  	s28 =	simm.s32 $0x1800;
	[sflag:s18] =	ssyncadd.s32 $0xFFFFC000  }
0x26: {  	[spmem:s2] =	stream.indirect.scatter.add.f32 [tilespmem:s16], [sflag:$0x3], $0x80, s28, s15, $0xb8;
	[tilespmem:$0x1F000] =	vst v63  }
0x27: {  	_ =	swait.ge [sflag:s13], $0x4000  }
0x28: {  	[sflag:s13] =	ssyncset.done $0x0  }
0x29: {  	s29 =	simm.s32 $0x100;
	[sflag:s13] =	ssyncadd.s32 $0xFFFFC000  }
0x2a: {  	[tilespmem:s16], [sflag:$0x1] =	stream.indirect.gather [hbm4b:s4+s15], $0x80, s29, s15, $0xb8;
	[tilespmem:$0x1F000] =	vst v63  }
0x2b: {  	_ =	swait.ge [sflag:s19], $0x4000  }
0x2c: {  	[sflag:s19] =	ssyncset.done $0x0  }
0x2d: {  	s30 =	simm.s32 $0x1880;
	[sflag:s19] =	ssyncadd.s32 $0xFFFFC000  }
0x2e: {  	[spmem:s2] =	stream.indirect.scatter.add.f32 [tilespmem:s17], [sflag:$0x3], $0x80, s30, s15, $0xb8;
	[tilespmem:$0x1F000] =	vst v63  }
0x2f: {  	_ =	swait.ge [sflag:s13], $0x4000  }
0x30: {  	[sflag:s13] =	ssyncset.done $0x0  }
0x31: {  	s31 =	simm.s32 $0x180;
	[sflag:s13] =	ssyncadd.s32 $0xFFFFC000  }
0x32: {  	[tilespmem:s17], [sflag:$0x2] =	stream.indirect.gather [hbm4b:s4+s15], $0x80, s31, s15, $0xb8;
	[tilespmem:$0x1F000] =	vst v63  }
0x33: {  	_ =	swait.ge [sflag:s18], $0x4000  }
0x34: {  	[sflag:s18] =	ssyncset.done $0x0  }
0x35: {  	s21 =	simm.s32 $0x1900;
	[sflag:s18] =	ssyncadd.s32 $0xFFFFC000  }
0x36: {  	[spmem:s2] =	stream.indirect.scatter.add.f32 [tilespmem:s16], [sflag:$0x3], $0x80, s21, s15, $0xb8;
	[tilespmem:$0x1F000] =	vst v63  }
0x37: {  	_ =	swait.ge [sflag:s13], $0x4000  }
0x38: {  	[sflag:s13] =	ssyncset.done $0x0  }
0x39: {  	s22 =	simm.s32 $0x200;
	[sflag:s13] =	ssyncadd.s32 $0xFFFFC000  }
0x3a: {  	[tilespmem:s16], [sflag:$0x1] =	stream.indirect.gather [hbm4b:s4+s15], $0x80, s22, s15, $0xb8;
	[tilespmem:$0x1F000] =	vst v63  }
0x3b: {  	_ =	swait.ge [sflag:s19], $0x4000  }
0x3c: {  	[sflag:s19] =	ssyncset.done $0x0  }
0x3d: {  	s23 =	simm.s32 $0x1980;
	[sflag:s19] =	ssyncadd.s32 $0xFFFFC000  }
0x3e: {  	[spmem:s2] =	stream.indirect.scatter.add.f32 [tilespmem:s17], [sflag:$0x3], $0x80, s23, s15, $0xb8;
	[tilespmem:$0x1F000] =	vst v63  }
0x3f: {  	_ =	swait.ge [sflag:s13], $0x4000  }
0x40: {  	[sflag:s13] =	ssyncset.done $0x0  }
0x41: {  	s24 =	simm.s32 $0x280;
	[sflag:s13] =	ssyncadd.s32 $0xFFFFC000  }
0x42: {  	[tilespmem:s17], [sflag:$0x2] =	stream.indirect.gather [hbm4b:s4+s15], $0x80, s24, s15, $0xb8;
	[tilespmem:$0x1F000] =	vst v63  }
0x43: {  	_ =	swait.ge [sflag:s18], $0x4000  }
0x44: {  	[sflag:s18] =	ssyncset.done $0x0  }
0x45: {  	s25 =	simm.s32 $0x1A00;
	[sflag:s18] =	ssyncadd.s32 $0xFFFFC000  }
0x46: {  	[spmem:s2] =	stream.indirect.scatter.add.f32 [tilespmem:s16], [sflag:$0x3], $0x80, s25, s15, $0xb8;
	[tilespmem:$0x1F000] =	vst v63  }
0x47: {  	_ =	swait.ge [sflag:s13], $0x4000  }
0x48: {  	[sflag:s13] =	ssyncset.done $0x0  }
0x49: {  	s26 =	simm.s32 $0x300;
	[sflag:s13] =	ssyncadd.s32 $0xFFFFC000  }
0x4a: {  	[tilespmem:s16], [sflag:$0x1] =	stream.indirect.gather [hbm4b:s4+s15], $0x80, s26, s15, $0xb8;
	[tilespmem:$0x1F000] =	vst v63  }
0x4b: {  	_ =	swait.ge [sflag:s19], $0x4000  }
0x4c: {  	[sflag:s19] =	ssyncset.done $0x0  }
0x4d: {  	s28 =	simm.s32 $0x1A80;
	[sflag:s19] =	ssyncadd.s32 $0xFFFFC000  }
0x4e: {  	[spmem:s2] =	stream.indirect.scatter.add.f32 [tilespmem:s17], [sflag:$0x3], $0x80, s28, s15, $0xb8;
	[tilespmem:$0x1F000] =	vst v63  }
0x4f: {  	_ =	swait.ge [sflag:s13], $0x4000  }
0x50: {  	[sflag:s13] =	ssyncset.done $0x0  }
0x51: {  	s29 =	simm.s32 $0x380;
	[sflag:s13] =	ssyncadd.s32 $0xFFFFC000  }
0x52: {  	[tilespmem:s17], [sflag:$0x2] =	stream.indirect.gather [hbm4b:s4+s15], $0x80, s29, s15, $0xb8;
	[tilespmem:$0x1F000] =	vst v63  }
0x53: {  	_ =	swait.ge [sflag:s18], $0x4000  }
0x54: {  	[sflag:s18] =	ssyncset.done $0x0  }
0x55: {  	s30 =	simm.s32 $0x1B00;
	[sflag:s18] =	ssyncadd.s32 $0xFFFFC000  }
0x56: {  	[spmem:s2] =	stream.indirect.scatter.add.f32 [tilespmem:s16], [sflag:$0x3], $0x80, s30, s15, $0xb8;
	[tilespmem:$0x1F000] =	vst v63  }
0x57: {  	_ =	swait.ge [sflag:s13], $0x4000  }
0x58: {  	[sflag:s13] =	ssyncset.done $0x0  }
0x59: {  	[sflag:s13] =	ssyncadd.s32 $0xFFFFC000  }
0x5a: {  	_ =	swait.ge [sflag:s19], $0x4000  }
0x5b: {  	[sflag:s19] =	ssyncset.done $0x0  }
0x5c: {  	s31 =	simm.s32 $0x1B80;
	[sflag:s19] =	ssyncadd.s32 $0xFFFFC000  }
0x5d: {  	[spmem:s2] =	stream.indirect.scatter.add.f32 [tilespmem:s17], [sflag:$0x3], $0x80, s31, s15, $0xb8;
	[tilespmem:$0x1F000] =	vst v63  }
0x5e: {  	p0 =	por p1, p1;
	_ =	swait.ge [sflag:s13], $0x4000  }
0x5f: {  	s20 =	simm.s32 $0x1000;
	s23 =	simm.s32 $0x2000;
	[sflag:s13] =	ssyncset.done $0x0  }
.LBB2_3:
0x60: {  	s22 =	sshra.s32 s20, $0x2  }
0x61: {  	[sflag:s13] =	ssyncadd.s32 $0xFFFFC000;
	s20 =	smov.u32 s23;
	s21 =	sadd.s32 $0x1000, s23  }
0x62: {  	[tilespmem:s16], [sflag:$0x1] =	stream.indirect.gather [hbm4b:s4+s15], $0x80, s22, s15, $0xb8;
	[tilespmem:$0x1F000] =	vst v63  }
0x63: {  	p1 =	sne.s32 s23, $0x4000;
	s23 =	sadd.s32 $0x80, s22  }
0x64: {  	[tilespmem:s17], [sflag:$0x2] =	stream.indirect.gather [hbm4b:s4+s15], $0x80, s23, s15, $0xb8;
	[tilespmem:$0x1F000] =	vst v63  }
0x65: {  	_ =	swait.ge [sflag:s18], $0x4000  }
0x66: {  	[sflag:s18] =	ssyncset.done $0x0  }
0x67: {  	s23 =	sadd.s32 $0x1800, s22;
	[sflag:s18] =	ssyncadd.s32 $0xFFFFC000  }
0x68: {  	[spmem:s2] =	stream.indirect.scatter.add.f32 [tilespmem:s16], [sflag:$0x3], $0x80, s23, s15, $0xb8;
	[tilespmem:$0x1F000] =	vst v63  }
0x69: {  	_ =	swait.ge [sflag:s13], $0x4000  }
0x6a: {  	[sflag:s13] =	ssyncset.done $0x0  }
0x6b: {  	s23 =	sadd.s32 $0x100, s22;
	[sflag:s13] =	ssyncadd.s32 $0xFFFFC000  }
0x6c: {  	[tilespmem:s16], [sflag:$0x1] =	stream.indirect.gather [hbm4b:s4+s15], $0x80, s23, s15, $0xb8;
	[tilespmem:$0x1F000] =	vst v63  }
0x6d: {  	_ =	swait.ge [sflag:s19], $0x4000  }
0x6e: {  	[sflag:s19] =	ssyncset.done $0x0  }
0x6f: {  	s23 =	sadd.s32 $0x1880, s22;
	[sflag:s19] =	ssyncadd.s32 $0xFFFFC000  }
0x70: {  	[spmem:s2] =	stream.indirect.scatter.add.f32 [tilespmem:s17], [sflag:$0x3], $0x80, s23, s15, $0xb8;
	[tilespmem:$0x1F000] =	vst v63  }
0x71: {  	_ =	swait.ge [sflag:s13], $0x4000  }
0x72: {  	[sflag:s13] =	ssyncset.done $0x0  }
0x73: {  	s23 =	sadd.s32 $0x180, s22;
	[sflag:s13] =	ssyncadd.s32 $0xFFFFC000  }
0x74: {  	[tilespmem:s17], [sflag:$0x2] =	stream.indirect.gather [hbm4b:s4+s15], $0x80, s23, s15, $0xb8;
	[tilespmem:$0x1F000] =	vst v63  }
0x75: {  	_ =	swait.ge [sflag:s18], $0x4000  }
0x76: {  	[sflag:s18] =	ssyncset.done $0x0  }
0x77: {  	s23 =	sadd.s32 $0x1900, s22;
	[sflag:s18] =	ssyncadd.s32 $0xFFFFC000  }
0x78: {  	[spmem:s2] =	stream.indirect.scatter.add.f32 [tilespmem:s16], [sflag:$0x3], $0x80, s23, s15, $0xb8;
	[tilespmem:$0x1F000] =	vst v63  }
0x79: {  	_ =	swait.ge [sflag:s13], $0x4000  }
0x7a: {  	[sflag:s13] =	ssyncset.done $0x0  }
0x7b: {  	s23 =	sadd.s32 $0x200, s22;
	[sflag:s13] =	ssyncadd.s32 $0xFFFFC000  }
0x7c: {  	[tilespmem:s16], [sflag:$0x1] =	stream.indirect.gather [hbm4b:s4+s15], $0x80, s23, s15, $0xb8;
	[tilespmem:$0x1F000] =	vst v63  }
0x7d: {  	_ =	swait.ge [sflag:s19], $0x4000  }
0x7e: {  	[sflag:s19] =	ssyncset.done $0x0  }
0x7f: {  	s23 =	sadd.s32 $0x1980, s22;
	[sflag:s19] =	ssyncadd.s32 $0xFFFFC000  }
0x80: {  	[spmem:s2] =	stream.indirect.scatter.add.f32 [tilespmem:s17], [sflag:$0x3], $0x80, s23, s15, $0xb8;
	[tilespmem:$0x1F000] =	vst v63  }
0x81: {  	_ =	swait.ge [sflag:s13], $0x4000  }
0x82: {  	[sflag:s13] =	ssyncset.done $0x0  }
0x83: {  	s23 =	sadd.s32 $0x280, s22;
	[sflag:s13] =	ssyncadd.s32 $0xFFFFC000  }
0x84: {  	[tilespmem:s17], [sflag:$0x2] =	stream.indirect.gather [hbm4b:s4+s15], $0x80, s23, s15, $0xb8;
	[tilespmem:$0x1F000] =	vst v63  }
0x85: {  	_ =	swait.ge [sflag:s18], $0x4000  }
0x86: {  	[sflag:s18] =	ssyncset.done $0x0  }
0x87: {  	s23 =	sadd.s32 $0x1A00, s22;
	[sflag:s18] =	ssyncadd.s32 $0xFFFFC000  }
0x88: {  	[spmem:s2] =	stream.indirect.scatter.add.f32 [tilespmem:s16], [sflag:$0x3], $0x80, s23, s15, $0xb8;
	[tilespmem:$0x1F000] =	vst v63  }
0x89: {  	_ =	swait.ge [sflag:s13], $0x4000  }
0x8a: {  	[sflag:s13] =	ssyncset.done $0x0  }
0x8b: {  	s23 =	sadd.s32 $0x300, s22;
	[sflag:s13] =	ssyncadd.s32 $0xFFFFC000  }
0x8c: {  	[tilespmem:s16], [sflag:$0x1] =	stream.indirect.gather [hbm4b:s4+s15], $0x80, s23, s15, $0xb8;
	[tilespmem:$0x1F000] =	vst v63  }
0x8d: {  	_ =	swait.ge [sflag:s19], $0x4000  }
0x8e: {  	[sflag:s19] =	ssyncset.done $0x0  }
0x8f: {  	s23 =	sadd.s32 $0x1A80, s22;
	[sflag:s19] =	ssyncadd.s32 $0xFFFFC000  }
0x90: {  	[spmem:s2] =	stream.indirect.scatter.add.f32 [tilespmem:s17], [sflag:$0x3], $0x80, s23, s15, $0xb8;
	[tilespmem:$0x1F000] =	vst v63  }
0x91: {  	_ =	swait.ge [sflag:s13], $0x4000  }
0x92: {  	[sflag:s13] =	ssyncset.done $0x0  }
0x93: {  	s23 =	sadd.s32 $0x380, s22;
	[sflag:s13] =	ssyncadd.s32 $0xFFFFC000  }
0x94: {  	[tilespmem:s17], [sflag:$0x2] =	stream.indirect.gather [hbm4b:s4+s15], $0x80, s23, s15, $0xb8;
	[tilespmem:$0x1F000] =	vst v63  }
0x95: {  	_ =	swait.ge [sflag:s18], $0x4000  }
0x96: {  	[sflag:s18] =	ssyncset.done $0x0  }
0x97: {  	s23 =	sadd.s32 $0x1B00, s22;
	[sflag:s18] =	ssyncadd.s32 $0xFFFFC000  }
0x98: {  	[spmem:s2] =	stream.indirect.scatter.add.f32 [tilespmem:s16], [sflag:$0x3], $0x80, s23, s15, $0xb8;
	[tilespmem:$0x1F000] =	vst v63  }
0x99: {  	_ =	swait.ge [sflag:s13], $0x4000  }
0x9a: {  	[sflag:s13] =	ssyncset.done $0x0  }
0x9b: {  	[sflag:s13] =	ssyncadd.s32 $0xFFFFC000  }
0x9c: {  	_ =	swait.ge [sflag:s19], $0x4000  }
.Ltmp0:
0x9d: {  	[sflag:s19] =	ssyncset.done $0x0;
	(pc) =	sbr.rel @p1 .LBB2_3-.Ltmp0, $4  }
0x9e: {  	s22 =	sadd.s32 $0x1B80, s22;
	[sflag:s19] =	ssyncadd.s32 $0xFFFFC000  }
0x9f: {  	[spmem:s2] =	stream.indirect.scatter.add.f32 [tilespmem:s17], [sflag:$0x3], $0x80, s22, s15, $0xb8;
	[tilespmem:$0x1F000] =	vst v63  }
0xa0: {  	_ =	swait.ge [sflag:s13], $0x4000  }
0xa1: {  	s23 =	smov.u32 s21;
	[sflag:s13] =	ssyncset.done $0x0  }
0xa2: {  	s20 =	sshra.s32 s20, $0x2;
	[sflag:s13] =	ssyncadd.s32 $0xFFFFC000  }
0xa3: {  	[tilespmem:s16], [sflag:$0x1] =	stream.indirect.gather [hbm4b:s4+s15], $0x80, s20, s15, $0xb8;
	[tilespmem:$0x1F000] =	vst v63  }
0xa4: {  	s21 =	sadd.s32 $0x80, s20  }
0xa5: {  	[tilespmem:s17], [sflag:$0x2] =	stream.indirect.gather [hbm4b:s4+s15], $0x80, s21, s15, $0xb8;
	[tilespmem:$0x1F000] =	vst v63  }
0xa6: {  	_ =	swait.ge [sflag:s18], $0x4000  }
0xa7: {  	[sflag:s18] =	ssyncset.done $0x0  }
0xa8: {  	s28 =	sadd.s32 $0x1800, s20;
	[sflag:s18] =	ssyncadd.s32 $0xFFFFC000  }
0xa9: {  	[spmem:s2] =	stream.indirect.scatter.add.f32 [tilespmem:s16], [sflag:$0x3], $0x80, s28, s15, $0xb8;
	[tilespmem:$0x1F000] =	vst v63  }
0xaa: {  	_ =	swait.ge [sflag:s13], $0x4000  }
0xab: {  	[sflag:s13] =	ssyncset.done $0x0  }
0xac: {  	s29 =	sadd.s32 $0x100, s20;
	[sflag:s13] =	ssyncadd.s32 $0xFFFFC000  }
0xad: {  	[tilespmem:s16], [sflag:$0x1] =	stream.indirect.gather [hbm4b:s4+s15], $0x80, s29, s15, $0xb8;
	[tilespmem:$0x1F000] =	vst v63  }
0xae: {  	_ =	swait.ge [sflag:s19], $0x4000  }
0xaf: {  	[sflag:s19] =	ssyncset.done $0x0  }
0xb0: {  	s30 =	sadd.s32 $0x1880, s20;
	[sflag:s19] =	ssyncadd.s32 $0xFFFFC000  }
0xb1: {  	[spmem:s2] =	stream.indirect.scatter.add.f32 [tilespmem:s17], [sflag:$0x3], $0x80, s30, s15, $0xb8;
	[tilespmem:$0x1F000] =	vst v63  }
0xb2: {  	_ =	swait.ge [sflag:s13], $0x4000  }
0xb3: {  	[sflag:s13] =	ssyncset.done $0x0  }
0xb4: {  	s31 =	sadd.s32 $0x180, s20;
	[sflag:s13] =	ssyncadd.s32 $0xFFFFC000  }
0xb5: {  	[tilespmem:s17], [sflag:$0x2] =	stream.indirect.gather [hbm4b:s4+s15], $0x80, s31, s15, $0xb8;
	[tilespmem:$0x1F000] =	vst v63  }
0xb6: {  	_ =	swait.ge [sflag:s18], $0x4000  }
0xb7: {  	[sflag:s18] =	ssyncset.done $0x0  }
0xb8: {  	s22 =	sadd.s32 $0x1900, s20;
	[sflag:s18] =	ssyncadd.s32 $0xFFFFC000  }
0xb9: {  	[spmem:s2] =	stream.indirect.scatter.add.f32 [tilespmem:s16], [sflag:$0x3], $0x80, s22, s15, $0xb8;
	[tilespmem:$0x1F000] =	vst v63  }
0xba: {  	_ =	swait.ge [sflag:s13], $0x4000  }
0xbb: {  	[sflag:s13] =	ssyncset.done $0x0  }
0xbc: {  	s23 =	sadd.s32 $0x200, s20;
	[sflag:s13] =	ssyncadd.s32 $0xFFFFC000  }
0xbd: {  	[tilespmem:s16], [sflag:$0x1] =	stream.indirect.gather [hbm4b:s4+s15], $0x80, s23, s15, $0xb8;
	[tilespmem:$0x1F000] =	vst v63  }
0xbe: {  	_ =	swait.ge [sflag:s19], $0x4000  }
0xbf: {  	[sflag:s19] =	ssyncset.done $0x0  }
0xc0: {  	s24 =	sadd.s32 $0x1980, s20;
	[sflag:s19] =	ssyncadd.s32 $0xFFFFC000  }
0xc1: {  	[spmem:s2] =	stream.indirect.scatter.add.f32 [tilespmem:s17], [sflag:$0x3], $0x80, s24, s15, $0xb8;
	[tilespmem:$0x1F000] =	vst v63  }
0xc2: {  	_ =	swait.ge [sflag:s13], $0x4000  }
0xc3: {  	[sflag:s13] =	ssyncset.done $0x0  }
0xc4: {  	s25 =	sadd.s32 $0x280, s20;
	[sflag:s13] =	ssyncadd.s32 $0xFFFFC000  }
0xc5: {  	[tilespmem:s17], [sflag:$0x2] =	stream.indirect.gather [hbm4b:s4+s15], $0x80, s25, s15, $0xb8;
	[tilespmem:$0x1F000] =	vst v63  }
0xc6: {  	_ =	swait.ge [sflag:s18], $0x4000  }
0xc7: {  	[sflag:s18] =	ssyncset.done $0x0  }
0xc8: {  	s26 =	sadd.s32 $0x1A00, s20;
	[sflag:s18] =	ssyncadd.s32 $0xFFFFC000  }
0xc9: {  	[spmem:s2] =	stream.indirect.scatter.add.f32 [tilespmem:s16], [sflag:$0x3], $0x80, s26, s15, $0xb8;
	[tilespmem:$0x1F000] =	vst v63  }
0xca: {  	_ =	swait.ge [sflag:s13], $0x4000  }
0xcb: {  	[sflag:s13] =	ssyncset.done $0x0  }
0xcc: {  	s28 =	sadd.s32 $0x300, s20;
	[sflag:s13] =	ssyncadd.s32 $0xFFFFC000  }
0xcd: {  	[tilespmem:s16], [sflag:$0x1] =	stream.indirect.gather [hbm4b:s4+s15], $0x80, s28, s15, $0xb8;
	[tilespmem:$0x1F000] =	vst v63  }
0xce: {  	_ =	swait.ge [sflag:s19], $0x4000  }
0xcf: {  	[sflag:s19] =	ssyncset.done $0x0  }
0xd0: {  	s29 =	sadd.s32 $0x1A80, s20;
	[sflag:s19] =	ssyncadd.s32 $0xFFFFC000  }
0xd1: {  	[spmem:s2] =	stream.indirect.scatter.add.f32 [tilespmem:s17], [sflag:$0x3], $0x80, s29, s15, $0xb8;
	[tilespmem:$0x1F000] =	vst v63  }
0xd2: {  	_ =	swait.ge [sflag:s13], $0x4000  }
0xd3: {  	[sflag:s13] =	ssyncset.done $0x0  }
0xd4: {  	s30 =	sadd.s32 $0x380, s20;
	[sflag:s13] =	ssyncadd.s32 $0xFFFFC000  }
0xd5: {  	[tilespmem:s17], [sflag:$0x2] =	stream.indirect.gather [hbm4b:s4+s15], $0x80, s30, s15, $0xb8;
	[tilespmem:$0x1F000] =	vst v63  }
0xd6: {  	_ =	swait.ge [sflag:s18], $0x4000  }
0xd7: {  	[sflag:s18] =	ssyncset.done $0x0  }
0xd8: {  	s31 =	sadd.s32 $0x1B00, s20;
	[sflag:s18] =	ssyncadd.s32 $0xFFFFC000  }
0xd9: {  	[spmem:s2] =	stream.indirect.scatter.add.f32 [tilespmem:s16], [sflag:$0x3], $0x80, s31, s15, $0xb8;
	[tilespmem:$0x1F000] =	vst v63  }
0xda: {  	_ =	swait.ge [sflag:s13], $0x4000  }
0xdb: {  	[sflag:s13] =	ssyncset.done $0x0  }
0xdc: {  	[sflag:s13] =	ssyncadd.s32 $0xFFFFC000  }
0xdd: {  	_ =	swait.ge [sflag:s19], $0x4000  }
0xde: {  	[sflag:s19] =	ssyncset.done $0x0  }
.Ltmp1:
0xdf: {  	s20 =	sadd.s32 $0x1B80, s20;
	[sflag:s19] =	ssyncadd.s32 $0xFFFFC000;
	(pc) =	sbr.rel @p0 .LBB2_2-.Ltmp1, $4  }
0xe0: {  	[spmem:s2] =	stream.indirect.scatter.add.f32 [tilespmem:s17], [sflag:$0x3], $0x80, s20, s15, $0xb8;
	[tilespmem:$0x1F000] =	vst v63  }
0xe1: {  	_ =	swait.ge [sflag:s13], $0x4000  }
0xe2: {  	[sflag:s13] =	ssyncset.done $0x0  }
0xe3: {  	p1 =	por $0x0, $0x0;
	s20 =	simm.s32 $0x1800;
	[sflag:s13] =	ssyncadd.s32 $0xFFFFC000  }
0xe4: {  	s3 =	sadd.s32 $0x1, s3  }
0xe5: {  	p0 =	sne.s32 s3, s11  }
.Ltmp2:
0xe6: {  	[bflag:$0x0] =	sbarrier.arrive $0xFFFF;
	(pc) =	sbr.rel @p0 .LBB2_1-.Ltmp2, $4  }
0xe7: {  	[hbm:s10], [sflag:s8] =	dma.local [spmem:s12], $0x2800  }
0xe8: {  	_ =	swait.ge [sflag:s13], $0x2800  }
0xe9: {  	[sflag:s13] =	ssyncset.done $0x0  }
0xea: {  	[sflag:s13] =	ssyncadd.s32 $0xFFFFD800  }
0xeb: {  	_ =	sfence.sel $0x180000  }
0xec: {  	[bflag:$0x0] =	sbarrier.arrive $0xFFFF  }
0xed: {  	p0 =	sne.s32 s1, $0x0;
	_ =	strace $0x9000004A  }
0xee: {  	s0 =	sadd.s32 @!p0 $0x100000, s0;
	[bflag:$0x2] =	sbarrier.arrive $0xFFFF  }
0xef: {  	[sflag:s0] =	ssyncadd.tile.s32 @!p0 $0x1;
	_ =	shalt  }
.Lfunc_end2:
_tile_overlayer_lowered:
.L_overlay_start_2:
0xf0: {  	(tag) =	ssettag $0x2  }
0xf1: {  	s0 =	rddreg [dreg:$0x0];
	s2 =	stileid.u32  }
0xf2: {  	s1 =	rddreg [dreg:$0x1];
	p0 =	sne.s32 s2, $0x0  }
0xf3: {  	s3 =	rddreg [dreg:$0x2];
	[bflag:$0x3] =	sbarrier.arrive $0xFFFF;
	s2 =	simm.s32 @!p0 $0x1C03  }
0xf4: {  	[timem:s3], [sflag:s2] =	dma.local @!p0 [hbm:s0], s1  }
0xf5: {  	s0 =	simm.s32 @!p0 $0x3  }
0xf6: {  	_ =	swait.ge @!p0 [sflag:s0], s1  }
0xf7: {  	s1 =	ssub.s32 @!p0 $0x0, s1;
	[sflag:s0] =	ssyncset.done @!p0 $0x0  }
0xf8: {  	[sflag:s0] =	ssyncadd.s32 @!p0 s1  }
0xf9: {  	[bflag:$0x3] =	sbarrier.arrive $0xFFFF  }
0xfa: {  	_ =	shalt  }

// kernel: kernel.14.cloned.1.call-start
scs
__scs_entry_jumppad:
0x0: {  	(pc) =	sbr.rel $0x88, $3  }
0x1: {  	(tag) =	ssettag $0x0;
	lr =	simm.s32 $0x1  }
0x2: {  	[smem:$0x3F9B] =	sst lr;
	_ =	strace $0xD0000000  }
0x3: {  	_ = 	snop  }
0x4: {  	_ = 	snop  }
0x5: {  	_ = 	snop  }
0x6: {  	_ = 	snop  }
0x7: {  	_ = 	snop  }
__scs_overlays_trampoline_lowered:
0x8: {  	[smem:$0x3FAA] =	sst s0  }
0x9: {  	[smem:$0x3FAB] =	sst s1  }
0xa: {  	[smem:$0x3FAC] =	sst s2  }
0xb: {  	[smem:$0x3FAD] =	sst s3  }
0xc: {  	[smem:$0x3FAE] =	sst s4  }
0xd: {  	[smem:$0x3FAF] =	sst s5  }
0xe: {  	[smem:$0x3FB0] =	sst s6  }
0xf: {  	[smem:$0x3FB1] =	sst s7  }
0x10: {  	[smem:$0x3FB2] =	sst s8  }
0x11: {  	[smem:$0x3FB3] =	sst s9;
	s0 =	simm.s32 @!p0 $0x0  }
0x12: {  	s1 =	sld [smem:$0x3F99];
	s0 =	simm.s32 @p0 $0x1  }
0x13: {  	[smem:$0x3FB4] =	sst s0;
	s0 =	simm.s32 @!p1 $0x0  }
0x14: {  	s2 =	sld [smem:$0x3F98];
	s0 =	simm.s32 @p1 $0x1  }
0x15: {  	[smem:$0x3FB5] =	sst s0;
	s0 =	simm.s32 @!p2 $0x0  }
0x16: {  	s3 =	sld [smem:$0x3FDB];
	s0 =	simm.s32 @p2 $0x1  }
0x17: {  	s4 =	simm.s32 $0x1BF5;
	[smem:$0x3FB7] =	sst s0  }
0x18: {  	s0 =	sld [smem:$0x3F9A];
	_ =	swait.ge [sflag:s4], $0x0  }
0x19: {  	s7 =	sld [smem:$0x3F9B]  }
0x1a: {  	s8 =	sadd.s32 $0xFFFFE003, lr  }
0x1b: {  	s9 =	sadd.s32 $0xFFFFFEF7, lr;
	s5 =	simm.s32 $0xFFFFFFFF;
	p2 =	slt.u32 s8, $0xFFFFF086  }
0x1c: {  	p1 =	slt.u32 s9, $0xF7A;
	s5 =	simm.s32 @!p2 $0x0  }
0x1d: {  	s5 =	simm.s32 @p1 $0x1;
	p0 =	seq.s32 s7, s2  }
0x1e: {  	s7 =	smul.u32 @!p0 $0xF7A, s2;
	p2 =	seq.s32 @!p0 s5, $0x0  }
0x1f: {  	s9 =	smul.u32 $0xF7A, s1;
	s8 =	simm.s32 @!p0 $0x1BF5;
	p2 =	por !p2, p0  }
0x20: {  	[sflag:s8] =	ssyncset.s32 @!p0 $0xFFFFF086;
	s6 =	sadd.s32 @!p0 s3, s7;
	s7 =	simm.s32 @!p0 $0x108  }
0x21: {  	s3 =	sadd.s32 s3, s9;
	s6 =	sadd.s32 @!p0 $0x88, s6;
	s7 =	simm.s32 @p2 $0x1082  }
0x22: {  	[simem:s7], [sflag:s8] =	dma.local @!p0 [hbm:s6], $0xF7A  }
0x23: {  	s9 =	sor.u32 $0xD0000000, s2;
	s6 =	simm.s32 $0x108;
	_ =	swait.ge @!p0 [sflag:s8], $0x0  }
0x24: {  	s3 =	sadd.s32 $0x88, s3;
	s6 =	simm.s32 @!p1 $0x1082;
	[sflag:s4] =	ssyncset.s32 $0xFFFFF086  }
0x25: {  	[simem:s6], [sflag:s4] =	dma.local [hbm:s3], $0xF7A  }
0x26: {  	[smem:$0x3F9B] =	sst s1;
	(tag) =	ssettag s2;
	_ =	strace s9  }
0x27: {  	s1 =	sld [smem:$0x3FAB]  }
0x28: {  	s2 =	sld [smem:$0x3FAC]  }
0x29: {  	s4 =	sld [smem:$0x3FAE]  }
0x2a: {  	p0 =	seq.s32 s5, $0x0;
	s5 =	sld [smem:$0x3FAF]  }
0x2b: {  	s6 =	sld [smem:$0x3FB0]  }
0x2c: {  	s7 =	sld [smem:$0x3FB1]  }
0x2d: {  	s3 =	simm.s32 $0x108;
	s8 =	sld [smem:$0x3FB2]  }
0x2e: {  	s3 =	simm.s32 @!p0 $0x1082;
	s9 =	sld [smem:$0x3FB3]  }
0x2f: {  	lr =	sadd.s32 s0, s3;
	s0 =	sld [smem:$0x3FAA]  }
0x30: {  	s3 =	sld [smem:$0x3FAD]  }
0x31: {  	[smem:$0x3FB6] =	sst s10  }
0x32: {  	s10 =	sld [smem:$0x3FB4];
	_ =	sdelay $0x3  }
0x33: {  	p0 =	seq.s32 s10, $0x1;
	s10 =	sld [smem:$0x3FB6];
	_ =	sdelay $0x3  }
0x34: {  	[smem:$0x3FB6] =	sst s10  }
0x35: {  	s10 =	sld [smem:$0x3FB5];
	_ =	sdelay $0x3  }
0x36: {  	p1 =	seq.s32 s10, $0x1;
	s10 =	sld [smem:$0x3FB6];
	_ =	sdelay $0x3  }
0x37: {  	[smem:$0x3FB6] =	sst s10  }
0x38: {  	s10 =	sld [smem:$0x3FB7]  }
0x39: {  	_ = 	snop;
	(pc) =	sbr.ind lr, $3  }
0x3a: {  	_ = 	snop  }
0x3b: {  	_ = 	snop  }
0x3c: {  	p2 =	seq.s32 s10, $0x1;
	s10 =	sld [smem:$0x3FB6]  }
0x3d: {  	_ =	shalt  }
0x3e: {  	_ =	shalt  }
0x3f: {  	_ =	shalt  }
0x40: {  	_ =	shalt  }
0x41: {  	_ =	shalt  }
0x42: {  	_ =	shalt  }
0x43: {  	_ =	shalt  }
0x44: {  	_ =	shalt  }
0x45: {  	_ =	shalt  }
0x46: {  	_ =	shalt  }
0x47: {  	_ =	shalt  }
0x48: {  	_ =	shalt  }
0x49: {  	_ =	shalt  }
0x4a: {  	_ =	shalt  }
0x4b: {  	_ =	shalt  }
0x4c: {  	_ =	shalt  }
0x4d: {  	_ =	shalt  }
0x4e: {  	_ =	shalt  }
0x4f: {  	_ =	shalt  }
0x50: {  	_ =	shalt  }
0x51: {  	_ =	shalt  }
0x52: {  	_ =	shalt  }
0x53: {  	_ =	shalt  }
0x54: {  	_ =	shalt  }
0x55: {  	_ =	shalt  }
0x56: {  	_ =	shalt  }
0x57: {  	_ =	shalt  }
0x58: {  	_ =	shalt  }
0x59: {  	_ =	shalt  }
0x5a: {  	_ =	shalt  }
0x5b: {  	_ =	shalt  }
0x5c: {  	_ =	shalt  }
0x5d: {  	_ =	shalt  }
0x5e: {  	_ =	shalt  }
0x5f: {  	_ =	shalt  }
0x60: {  	_ =	shalt  }
0x61: {  	_ =	shalt  }
0x62: {  	_ =	shalt  }
0x63: {  	_ =	shalt  }
0x64: {  	_ =	shalt  }
0x65: {  	_ =	shalt  }
0x66: {  	_ =	shalt  }
0x67: {  	_ =	shalt  }
0x68: {  	_ =	shalt  }
0x69: {  	_ =	shalt  }
0x6a: {  	_ =	shalt  }
0x6b: {  	_ =	shalt  }
0x6c: {  	_ =	shalt  }
0x6d: {  	_ =	shalt  }
0x6e: {  	_ =	shalt  }
0x6f: {  	_ =	shalt  }
0x70: {  	_ =	shalt  }
0x71: {  	_ =	shalt  }
0x72: {  	_ =	shalt  }
0x73: {  	_ =	shalt  }
0x74: {  	_ =	shalt  }
0x75: {  	_ =	shalt  }
0x76: {  	_ =	shalt  }
0x77: {  	_ =	shalt  }
0x78: {  	_ =	shalt  }
0x79: {  	_ =	shalt  }
0x7a: {  	_ =	shalt  }
0x7b: {  	_ =	shalt  }
0x7c: {  	_ =	shalt  }
0x7d: {  	_ =	shalt  }
0x7e: {  	_ =	shalt  }
0x7f: {  	_ =	shalt  }
0x80: {  	_ =	shalt  }
0x81: {  	_ =	shalt  }
0x82: {  	_ =	shalt  }
0x83: {  	_ =	shalt  }
0x84: {  	_ =	shalt  }
0x85: {  	_ =	shalt  }
0x86: {  	_ =	shalt  }
0x87: {  	_ =	shalt  }
.Lfunc_end0:
.L_simem_size_0:
called_computation.2_lowered:
.L_overlay_start_0:
0x88: {  	s2 =	sld [smem:$0x3FD9]  }
0x89: {  	s3 =	sld [smem:$0x3FFE];
	_ =	sdelay $0x1  }
0x8a: {  	s1 =	srdreg.scid  }
0x8b: {  	s0 =	sand.u32 $0x1, s1  }
0x8c: {  	s17 =	sshll.u32 s0, $0xA;
	s2 =	sadd.s32 s3, s2  }
0x8d: {  	s2 =	sadd.s32 s2, s17  }
0x8e: {  	[smem:$0x3FC2] =	sst s2  }
0x8f: {  	_ = 	snop  }
0x90: {  	s2 =	sld [smem:$0x3FD0];
	(tm) =	ssettm $0x1  }
0x91: {  	s18 =	sld [smem:$0x3FFB];
	_ =	sdelay $0x3  }
0x92: {  	_ =	strace s18  }
0x93: {  	s3 =	sld [smem:$0x3FFC];
	_ =	sdelay $0x3  }
0x94: {  	_ =	strace s3  }
0x95: {  	s3 =	sld [smem:$0x3FFD];
	_ =	sdelay $0x3  }
0x96: {  	_ =	strace s3  }
0x97: {  	_ =	strace $0x8FFFFFFF  }
0x98: {  	s19 =	sld [smem:$0x3FDB];
	_ =	sdelay $0x1  }
0x99: {  	s4 =	simm.s32 $_scs_section_size  }
0x9a: {  	s5 =	simm.s32 $_size__tile_overlayer_lowered;
	s6 =	simm.s32 $_tile_overlayer_lowered  }
0x9b: {  	s22 =	simm.s32 $0x1BFF;
	s21 =	sshll.u32 s6, $0x1;
	s3 =	sadd.s32 s4, s19  }
0x9c: {  	s7 =	simm.s32 $0x0;
	s20 =	sshll.u32 s5, $0x1;
	s5 =	sadd.s32 s21, s3  }
0x9d: {  	[timem:s7], [sflag:s22] =	dma.local [hbm:s5], s20  }
0x9e: {  	_ =	swait.ge [sflag:s22], s20  }
0x9f: {  	s4 =	ssub.s32 $0x0, s20;
	[sflag:s22] =	ssyncset.done $0x0  }
0xa0: {  	[sflag:s22] =	ssyncadd.s32 s4;
	_ =	sdelay $0x1  }
0xa1: {  	s23 =	simm.s32 $0x1B8B  }
0xa2: {  	_ =	swait.ge [sflag:s23], $0x1  }
0xa3: {  	[sflag:s23] =	ssyncset.done $0x0  }
0xa4: {  	s25 =	simm.s32 $0x1B8E;
	s24 =	sld [smem:$0x3FFE];
	[sflag:s23] =	ssyncadd.s32 $0xFFFFFFFF  }
0xa5: {  	s26 =	simm.s32 $execute0_lowered;
	[smem:$0x3FD2] =	sst s25  }
0xa6: {  	s5 =	sshll.u32 s26, $0x1;
	_ =	strace $0x8000004C;
	[dreg:$0x1] =	wrdreg $0xFFFFFFFF  }
0xa7: {  	s28 =	simm.s32 $_size_execute0_lowered;
	s3 =	sadd.s32 s3, s5;
	[dreg:$0x0] =	wrdreg $0x0  }
0xa8: {  	s5 =	sshll.u32 s28, $0x1;
	[dreg:$0x2] =	wrdreg s3  }
0xa9: {  	[dreg:$0x3] =	wrdreg s5  }
0xaa: {  	[dreg:$0x4] =	wrdreg $0xC0  }
0xab: {  	_ =	task [dreg:s7], $0x5FFFF  }
0xac: {  	[dreg:$0x1] =	wrdreg $0xFFFFFFFF  }
0xad: {  	[dreg:$0x0] =	wrdreg $0x60  }
0xae: {  	[dreg:$0x2] =	wrdreg s24  }
0xaf: {  	[dreg:$0x3] =	wrdreg s2  }
0xb0: {  	[dreg:$0x4] =	wrdreg $0xB0000  }
0xb1: {  	[dreg:$0x5] =	wrdreg $0x9  }
0xb2: {  	_ =	task.clear_ibuf [dreg:s7], $0x6FFFF;
	_ =	strace $0x9000004C  }
0xb3: {  	s29 =	simm.s32 $0x9;
	_ =	strace $0x8000004E  }
0xb4: {  	_ =	swait.ge [sflag:s29], $0x1  }
0xb5: {  	[sflag:s29] =	ssyncadd.s32 $0xFFFFFFFF  }
0xb6: {  	_ =	strace $0x9000004E  }
0xb7: {  	_ =	sfence  }
0xb8: {  	s30 =	sld [smem:$0x0];
	_ =	sdelay $0x2  }
0xb9: {  	s31 =	sshll.u32 s1, $0xD;
	s1 =	sshrl.u32 s1, $0x2  }
0xba: {  	s3 =	sand.u32 $0x4000, s31;
	s1 =	sadd.s32 s1, s30  }
0xbb: {  	s0 =	sor.u32 s3, s0;
	s1 =	sshll.u32 s1, $0x11  }
0xbc: {  	s0 =	sor.u32 s1, s0  }
0xbd: {  	s0 =	sadd.s32 $0x8F2B, s0  }
0xbe: {  	[sflag:s0] =	ssyncadd.remote.s32 $0x1  }
0xbf: {  	_ =	sfence.sel $0xFFFF  }
0xc0: {  	[dreg:$0x0] =	wrdreg $0xFFFFFFFF;
	(pc) =	sbr.abs _section_cstart, $3  }
0xc1: {  	[dreg:$0x1] =	wrdreg $0xFFFFFFFF  }
0xc2: {  	_ =	task.clear_ibuf [dreg:s7], $0x2FFFF;
	_ =	strace $0x9FFFFFFF  }
0xc3: {  	(tm) =	ssettm $0x7FFFFFFF  }
tec
execute0_lowered:
.L_overlay_start_1:
0x0: {  	(tag) =	ssettag $0x1  }
0x1: {  	s7 =	rddreg [dreg:$0x0]  }
0x2: {  	s8 =	rddreg [dreg:$0x1]  }
0x3: {  	s2 =	rddreg [dreg:$0x2]  }
0x4: {  	s0 =	rddreg [dreg:$0x3];
	s3 =	simm.s32 $0x0;
	s4 =	srdreg.scid  }
0x5: {  	s1 =	stileid.u32;
	s15 =	simm.s32 $0x80;
	s16 =	simm.s32 $0x3000  }
0x6: {  	s17 =	simm.s32 $0x7000;
	s18 =	simm.s32 $0x1;
	s19 =	simm.s32 $0x2  }
0x7: {  	[smem:$0x7FF] =	sst s3;
	s9 =	sand.u32 $0x1, s4;
	s10 =	smul.u32 $0x2800, s1  }
0x8: {  	s4 =	sadd.s32 $0x1BE00, s7;
	s5 =	sadd.s32 $0x3E00, s7;
	s6 =	sadd.s32 $0xFE00, s7  }
0x9: {  	s13 =	smul.u32 $0x50000, s1;
	s14 =	sshll.u32 s1, $0x1;
	s31 =	sshll.u32 s1, $0x6  }
0xa: {  	_ =	strace $0x8000004D;
	s11 =	smul.u32 $0x28000, s9;
	s12 =	ssub.s32 $0x2, s9  }
0xb: {  	s9 =	sor.u32 s9, s14;
	s14 =	simm.s32 $0x1800;
	s29 =	sshrl.u32 s12, $0x1  }
0xc: {  	s30 =	sshrl.u32 s13, $0x2;
	s9 =	smul.u32 $0x3000, s9;
	s11 =	sadd.s32 s10, s11  }
0xd: {  	s12 =	ssub.s32 s12, s29;
	s13 =	sadd.s32 s30, s2;
	s11 =	sadd.s32 s11, s7  }
0xe: {  	s7 =	sadd.s32 s8, s10;
	s8 =	sor.u32 $0x1C03, s31;
	s10 =	sadd.s32 $0x6BE00, s11  }
0xf: {  	s11 =	smax.u32 s12, $0x1;
	s12 =	sshrl.u32 s13, $0x3;
	s13 =	simm.s32 $0x3  }
.LBB2_1:
0x10: {  	[spmem:s12], [sflag:s8] =	dma.local [hbm:s7], $0x2800  }
0x11: {  	_ =	swait.ge [sflag:s13], $0x2800  }
0x12: {  	[sflag:s13] =	ssyncset.done $0x0  }
0x13: {  	[sflag:s13] =	ssyncadd.s32 $0xFFFFD800  }
0x14: {  	p1 =	por $0x1, $0x1;
	s20 =	simm.s32 $0x0;
	[bflag:$0x0] =	sbarrier.arrive $0xFFFF  }
.LBB2_2:
0x15: {  	s20 =	sadd.s32 s9, s20  }
0x16: {  	s20 =	sshrl.u32 s20, $0x3  }
0x17: {  	s22 =	simm.s32 $0x0;
	s21 =	sadd.s32 s5, s20  }
0x18: {  	[tilespmem:s22], [sflag:$0x3] =	stream.linear.gather [hbm4b:s21+s22], $0x1800, $0x38;
	[tilespmem:$0x1F000] =	vst v63  }
0x19: {  	_ =	swait.ge [sflag:s13], $0x1800  }
0x1a: {  	[sflag:s13] =	ssyncset.done $0x0  }
0x1b: {  	s20 =	sadd.s32 s6, s20;
	[sflag:s13] =	ssyncadd.s32 $0xFFFFE800  }
0x1c: {  	[tilespmem:s14], [sflag:$0x3] =	stream.linear.gather [hbm4b:s20+s22], $0x1800, $0x38;
	[tilespmem:$0x1F000] =	vst v63  }
0x1d: {  	_ =	swait.ge [sflag:s13], $0x1800  }
0x1e: {  	[sflag:s13] =	ssyncset.done $0x0  }
0x1f: {  	s25 =	simm.s32 $0x0;
	[sflag:s13] =	ssyncadd.s32 $0xFFFFE800  }
0x20: {  	[tilespmem:s16], [sflag:$0x1] =	stream.indirect.gather [hbm4b:s4+s15], $0x80, s25, s15, $0xb8;
	[tilespmem:$0x1F000] =	vst v63  }
0x21: {  	s26 =	simm.s32 $0x80  }
0x22: {  	[tilespmem:s17], [sflag:$0x2] =	stream.indirect.gather [hbm4b:s4+s15], $0x80, s26, s15, $0xb8;
	[tilespmem:$0x1F000] =	vst v63  }
0x23: {  	_ =	swait.ge [sflag:s18], $0x4000  }
0x24: {  	[sflag:s18] =	ssyncset.done $0x0  }
0x25: {  	s28 =	simm.s32 $0x1800;
	[sflag:s18] =	ssyncadd.s32 $0xFFFFC000  }
0x26: {  	[spmem:s2] =	stream.indirect.scatter.add.f32 [tilespmem:s16], [sflag:$0x3], $0x80, s28, s15, $0xb8;
	[tilespmem:$0x1F000] =	vst v63  }
0x27: {  	_ =	swait.ge [sflag:s13], $0x4000  }
0x28: {  	[sflag:s13] =	ssyncset.done $0x0  }
0x29: {  	s29 =	simm.s32 $0x100;
	[sflag:s13] =	ssyncadd.s32 $0xFFFFC000  }
0x2a: {  	[tilespmem:s16], [sflag:$0x1] =	stream.indirect.gather [hbm4b:s4+s15], $0x80, s29, s15, $0xb8;
	[tilespmem:$0x1F000] =	vst v63  }
0x2b: {  	_ =	swait.ge [sflag:s19], $0x4000  }
0x2c: {  	[sflag:s19] =	ssyncset.done $0x0  }
0x2d: {  	s30 =	simm.s32 $0x1880;
	[sflag:s19] =	ssyncadd.s32 $0xFFFFC000  }
0x2e: {  	[spmem:s2] =	stream.indirect.scatter.add.f32 [tilespmem:s17], [sflag:$0x3], $0x80, s30, s15, $0xb8;
	[tilespmem:$0x1F000] =	vst v63  }
0x2f: {  	_ =	swait.ge [sflag:s13], $0x4000  }
0x30: {  	[sflag:s13] =	ssyncset.done $0x0  }
0x31: {  	s31 =	simm.s32 $0x180;
	[sflag:s13] =	ssyncadd.s32 $0xFFFFC000  }
0x32: {  	[tilespmem:s17], [sflag:$0x2] =	stream.indirect.gather [hbm4b:s4+s15], $0x80, s31, s15, $0xb8;
	[tilespmem:$0x1F000] =	vst v63  }
0x33: {  	_ =	swait.ge [sflag:s18], $0x4000  }
0x34: {  	[sflag:s18] =	ssyncset.done $0x0  }
0x35: {  	s21 =	simm.s32 $0x1900;
	[sflag:s18] =	ssyncadd.s32 $0xFFFFC000  }
0x36: {  	[spmem:s2] =	stream.indirect.scatter.add.f32 [tilespmem:s16], [sflag:$0x3], $0x80, s21, s15, $0xb8;
	[tilespmem:$0x1F000] =	vst v63  }
0x37: {  	_ =	swait.ge [sflag:s13], $0x4000  }
0x38: {  	[sflag:s13] =	ssyncset.done $0x0  }
0x39: {  	s22 =	simm.s32 $0x200;
	[sflag:s13] =	ssyncadd.s32 $0xFFFFC000  }
0x3a: {  	[tilespmem:s16], [sflag:$0x1] =	stream.indirect.gather [hbm4b:s4+s15], $0x80, s22, s15, $0xb8;
	[tilespmem:$0x1F000] =	vst v63  }
0x3b: {  	_ =	swait.ge [sflag:s19], $0x4000  }
0x3c: {  	[sflag:s19] =	ssyncset.done $0x0  }
0x3d: {  	s23 =	simm.s32 $0x1980;
	[sflag:s19] =	ssyncadd.s32 $0xFFFFC000  }
0x3e: {  	[spmem:s2] =	stream.indirect.scatter.add.f32 [tilespmem:s17], [sflag:$0x3], $0x80, s23, s15, $0xb8;
	[tilespmem:$0x1F000] =	vst v63  }
0x3f: {  	_ =	swait.ge [sflag:s13], $0x4000  }
0x40: {  	[sflag:s13] =	ssyncset.done $0x0  }
0x41: {  	s24 =	simm.s32 $0x280;
	[sflag:s13] =	ssyncadd.s32 $0xFFFFC000  }
0x42: {  	[tilespmem:s17], [sflag:$0x2] =	stream.indirect.gather [hbm4b:s4+s15], $0x80, s24, s15, $0xb8;
	[tilespmem:$0x1F000] =	vst v63  }
0x43: {  	_ =	swait.ge [sflag:s18], $0x4000  }
0x44: {  	[sflag:s18] =	ssyncset.done $0x0  }
0x45: {  	s25 =	simm.s32 $0x1A00;
	[sflag:s18] =	ssyncadd.s32 $0xFFFFC000  }
0x46: {  	[spmem:s2] =	stream.indirect.scatter.add.f32 [tilespmem:s16], [sflag:$0x3], $0x80, s25, s15, $0xb8;
	[tilespmem:$0x1F000] =	vst v63  }
0x47: {  	_ =	swait.ge [sflag:s13], $0x4000  }
0x48: {  	[sflag:s13] =	ssyncset.done $0x0  }
0x49: {  	s26 =	simm.s32 $0x300;
	[sflag:s13] =	ssyncadd.s32 $0xFFFFC000  }
0x4a: {  	[tilespmem:s16], [sflag:$0x1] =	stream.indirect.gather [hbm4b:s4+s15], $0x80, s26, s15, $0xb8;
	[tilespmem:$0x1F000] =	vst v63  }
0x4b: {  	_ =	swait.ge [sflag:s19], $0x4000  }
0x4c: {  	[sflag:s19] =	ssyncset.done $0x0  }
0x4d: {  	s28 =	simm.s32 $0x1A80;
	[sflag:s19] =	ssyncadd.s32 $0xFFFFC000  }
0x4e: {  	[spmem:s2] =	stream.indirect.scatter.add.f32 [tilespmem:s17], [sflag:$0x3], $0x80, s28, s15, $0xb8;
	[tilespmem:$0x1F000] =	vst v63  }
0x4f: {  	_ =	swait.ge [sflag:s13], $0x4000  }
0x50: {  	[sflag:s13] =	ssyncset.done $0x0  }
0x51: {  	s29 =	simm.s32 $0x380;
	[sflag:s13] =	ssyncadd.s32 $0xFFFFC000  }
0x52: {  	[tilespmem:s17], [sflag:$0x2] =	stream.indirect.gather [hbm4b:s4+s15], $0x80, s29, s15, $0xb8;
	[tilespmem:$0x1F000] =	vst v63  }
0x53: {  	_ =	swait.ge [sflag:s18], $0x4000  }
0x54: {  	[sflag:s18] =	ssyncset.done $0x0  }
0x55: {  	s30 =	simm.s32 $0x1B00;
	[sflag:s18] =	ssyncadd.s32 $0xFFFFC000  }
0x56: {  	[spmem:s2] =	stream.indirect.scatter.add.f32 [tilespmem:s16], [sflag:$0x3], $0x80, s30, s15, $0xb8;
	[tilespmem:$0x1F000] =	vst v63  }
0x57: {  	_ =	swait.ge [sflag:s13], $0x4000  }
0x58: {  	[sflag:s13] =	ssyncset.done $0x0  }
0x59: {  	[sflag:s13] =	ssyncadd.s32 $0xFFFFC000  }
0x5a: {  	_ =	swait.ge [sflag:s19], $0x4000  }
0x5b: {  	[sflag:s19] =	ssyncset.done $0x0  }
0x5c: {  	s31 =	simm.s32 $0x1B80;
	[sflag:s19] =	ssyncadd.s32 $0xFFFFC000  }
0x5d: {  	[spmem:s2] =	stream.indirect.scatter.add.f32 [tilespmem:s17], [sflag:$0x3], $0x80, s31, s15, $0xb8;
	[tilespmem:$0x1F000] =	vst v63  }
0x5e: {  	p0 =	por p1, p1;
	_ =	swait.ge [sflag:s13], $0x4000  }
0x5f: {  	s20 =	simm.s32 $0x1000;
	s23 =	simm.s32 $0x2000;
	[sflag:s13] =	ssyncset.done $0x0  }
.LBB2_3:
0x60: {  	s22 =	sshra.s32 s20, $0x2  }
0x61: {  	[sflag:s13] =	ssyncadd.s32 $0xFFFFC000;
	s20 =	smov.u32 s23;
	s21 =	sadd.s32 $0x1000, s23  }
0x62: {  	[tilespmem:s16], [sflag:$0x1] =	stream.indirect.gather [hbm4b:s4+s15], $0x80, s22, s15, $0xb8;
	[tilespmem:$0x1F000] =	vst v63  }
0x63: {  	p1 =	sne.s32 s23, $0x4000;
	s23 =	sadd.s32 $0x80, s22  }
0x64: {  	[tilespmem:s17], [sflag:$0x2] =	stream.indirect.gather [hbm4b:s4+s15], $0x80, s23, s15, $0xb8;
	[tilespmem:$0x1F000] =	vst v63  }
0x65: {  	_ =	swait.ge [sflag:s18], $0x4000  }
0x66: {  	[sflag:s18] =	ssyncset.done $0x0  }
0x67: {  	s23 =	sadd.s32 $0x1800, s22;
	[sflag:s18] =	ssyncadd.s32 $0xFFFFC000  }
0x68: {  	[spmem:s2] =	stream.indirect.scatter.add.f32 [tilespmem:s16], [sflag:$0x3], $0x80, s23, s15, $0xb8;
	[tilespmem:$0x1F000] =	vst v63  }
0x69: {  	_ =	swait.ge [sflag:s13], $0x4000  }
0x6a: {  	[sflag:s13] =	ssyncset.done $0x0  }
0x6b: {  	s23 =	sadd.s32 $0x100, s22;
	[sflag:s13] =	ssyncadd.s32 $0xFFFFC000  }
0x6c: {  	[tilespmem:s16], [sflag:$0x1] =	stream.indirect.gather [hbm4b:s4+s15], $0x80, s23, s15, $0xb8;
	[tilespmem:$0x1F000] =	vst v63  }
0x6d: {  	_ =	swait.ge [sflag:s19], $0x4000  }
0x6e: {  	[sflag:s19] =	ssyncset.done $0x0  }
0x6f: {  	s23 =	sadd.s32 $0x1880, s22;
	[sflag:s19] =	ssyncadd.s32 $0xFFFFC000  }
0x70: {  	[spmem:s2] =	stream.indirect.scatter.add.f32 [tilespmem:s17], [sflag:$0x3], $0x80, s23, s15, $0xb8;
	[tilespmem:$0x1F000] =	vst v63  }
0x71: {  	_ =	swait.ge [sflag:s13], $0x4000  }
0x72: {  	[sflag:s13] =	ssyncset.done $0x0  }
0x73: {  	s23 =	sadd.s32 $0x180, s22;
	[sflag:s13] =	ssyncadd.s32 $0xFFFFC000  }
0x74: {  	[tilespmem:s17], [sflag:$0x2] =	stream.indirect.gather [hbm4b:s4+s15], $0x80, s23, s15, $0xb8;
	[tilespmem:$0x1F000] =	vst v63  }
0x75: {  	_ =	swait.ge [sflag:s18], $0x4000  }
0x76: {  	[sflag:s18] =	ssyncset.done $0x0  }
0x77: {  	s23 =	sadd.s32 $0x1900, s22;
	[sflag:s18] =	ssyncadd.s32 $0xFFFFC000  }
0x78: {  	[spmem:s2] =	stream.indirect.scatter.add.f32 [tilespmem:s16], [sflag:$0x3], $0x80, s23, s15, $0xb8;
	[tilespmem:$0x1F000] =	vst v63  }
0x79: {  	_ =	swait.ge [sflag:s13], $0x4000  }
0x7a: {  	[sflag:s13] =	ssyncset.done $0x0  }
0x7b: {  	s23 =	sadd.s32 $0x200, s22;
	[sflag:s13] =	ssyncadd.s32 $0xFFFFC000  }
0x7c: {  	[tilespmem:s16], [sflag:$0x1] =	stream.indirect.gather [hbm4b:s4+s15], $0x80, s23, s15, $0xb8;
	[tilespmem:$0x1F000] =	vst v63  }
0x7d: {  	_ =	swait.ge [sflag:s19], $0x4000  }
0x7e: {  	[sflag:s19] =	ssyncset.done $0x0  }
0x7f: {  	s23 =	sadd.s32 $0x1980, s22;
	[sflag:s19] =	ssyncadd.s32 $0xFFFFC000  }
0x80: {  	[spmem:s2] =	stream.indirect.scatter.add.f32 [tilespmem:s17], [sflag:$0x3], $0x80, s23, s15, $0xb8;
	[tilespmem:$0x1F000] =	vst v63  }
0x81: {  	_ =	swait.ge [sflag:s13], $0x4000  }
0x82: {  	[sflag:s13] =	ssyncset.done $0x0  }
0x83: {  	s23 =	sadd.s32 $0x280, s22;
	[sflag:s13] =	ssyncadd.s32 $0xFFFFC000  }
0x84: {  	[tilespmem:s17], [sflag:$0x2] =	stream.indirect.gather [hbm4b:s4+s15], $0x80, s23, s15, $0xb8;
	[tilespmem:$0x1F000] =	vst v63  }
0x85: {  	_ =	swait.ge [sflag:s18], $0x4000  }
0x86: {  	[sflag:s18] =	ssyncset.done $0x0  }
0x87: {  	s23 =	sadd.s32 $0x1A00, s22;
	[sflag:s18] =	ssyncadd.s32 $0xFFFFC000  }
0x88: {  	[spmem:s2] =	stream.indirect.scatter.add.f32 [tilespmem:s16], [sflag:$0x3], $0x80, s23, s15, $0xb8;
	[tilespmem:$0x1F000] =	vst v63  }
0x89: {  	_ =	swait.ge [sflag:s13], $0x4000  }
0x8a: {  	[sflag:s13] =	ssyncset.done $0x0  }
0x8b: {  	s23 =	sadd.s32 $0x300, s22;
	[sflag:s13] =	ssyncadd.s32 $0xFFFFC000  }
0x8c: {  	[tilespmem:s16], [sflag:$0x1] =	stream.indirect.gather [hbm4b:s4+s15], $0x80, s23, s15, $0xb8;
	[tilespmem:$0x1F000] =	vst v63  }
0x8d: {  	_ =	swait.ge [sflag:s19], $0x4000  }
0x8e: {  	[sflag:s19] =	ssyncset.done $0x0  }
0x8f: {  	s23 =	sadd.s32 $0x1A80, s22;
	[sflag:s19] =	ssyncadd.s32 $0xFFFFC000  }
0x90: {  	[spmem:s2] =	stream.indirect.scatter.add.f32 [tilespmem:s17], [sflag:$0x3], $0x80, s23, s15, $0xb8;
	[tilespmem:$0x1F000] =	vst v63  }
0x91: {  	_ =	swait.ge [sflag:s13], $0x4000  }
0x92: {  	[sflag:s13] =	ssyncset.done $0x0  }
0x93: {  	s23 =	sadd.s32 $0x380, s22;
	[sflag:s13] =	ssyncadd.s32 $0xFFFFC000  }
0x94: {  	[tilespmem:s17], [sflag:$0x2] =	stream.indirect.gather [hbm4b:s4+s15], $0x80, s23, s15, $0xb8;
	[tilespmem:$0x1F000] =	vst v63  }
0x95: {  	_ =	swait.ge [sflag:s18], $0x4000  }
0x96: {  	[sflag:s18] =	ssyncset.done $0x0  }
0x97: {  	s23 =	sadd.s32 $0x1B00, s22;
	[sflag:s18] =	ssyncadd.s32 $0xFFFFC000  }
0x98: {  	[spmem:s2] =	stream.indirect.scatter.add.f32 [tilespmem:s16], [sflag:$0x3], $0x80, s23, s15, $0xb8;
	[tilespmem:$0x1F000] =	vst v63  }
0x99: {  	_ =	swait.ge [sflag:s13], $0x4000  }
0x9a: {  	[sflag:s13] =	ssyncset.done $0x0  }
0x9b: {  	[sflag:s13] =	ssyncadd.s32 $0xFFFFC000  }
0x9c: {  	_ =	swait.ge [sflag:s19], $0x4000  }
.Ltmp0:
0x9d: {  	[sflag:s19] =	ssyncset.done $0x0;
	(pc) =	sbr.rel @p1 .LBB2_3-.Ltmp0, $4  }
0x9e: {  	s22 =	sadd.s32 $0x1B80, s22;
	[sflag:s19] =	ssyncadd.s32 $0xFFFFC000  }
0x9f: {  	[spmem:s2] =	stream.indirect.scatter.add.f32 [tilespmem:s17], [sflag:$0x3], $0x80, s22, s15, $0xb8;
	[tilespmem:$0x1F000] =	vst v63  }
0xa0: {  	_ =	swait.ge [sflag:s13], $0x4000  }
0xa1: {  	s23 =	smov.u32 s21;
	[sflag:s13] =	ssyncset.done $0x0  }
0xa2: {  	s20 =	sshra.s32 s20, $0x2;
	[sflag:s13] =	ssyncadd.s32 $0xFFFFC000  }
0xa3: {  	[tilespmem:s16], [sflag:$0x1] =	stream.indirect.gather [hbm4b:s4+s15], $0x80, s20, s15, $0xb8;
	[tilespmem:$0x1F000] =	vst v63  }
0xa4: {  	s21 =	sadd.s32 $0x80, s20  }
0xa5: {  	[tilespmem:s17], [sflag:$0x2] =	stream.indirect.gather [hbm4b:s4+s15], $0x80, s21, s15, $0xb8;
	[tilespmem:$0x1F000] =	vst v63  }
0xa6: {  	_ =	swait.ge [sflag:s18], $0x4000  }
0xa7: {  	[sflag:s18] =	ssyncset.done $0x0  }
0xa8: {  	s28 =	sadd.s32 $0x1800, s20;
	[sflag:s18] =	ssyncadd.s32 $0xFFFFC000  }
0xa9: {  	[spmem:s2] =	stream.indirect.scatter.add.f32 [tilespmem:s16], [sflag:$0x3], $0x80, s28, s15, $0xb8;
	[tilespmem:$0x1F000] =	vst v63  }
0xaa: {  	_ =	swait.ge [sflag:s13], $0x4000  }
0xab: {  	[sflag:s13] =	ssyncset.done $0x0  }
0xac: {  	s29 =	sadd.s32 $0x100, s20;
	[sflag:s13] =	ssyncadd.s32 $0xFFFFC000  }
0xad: {  	[tilespmem:s16], [sflag:$0x1] =	stream.indirect.gather [hbm4b:s4+s15], $0x80, s29, s15, $0xb8;
	[tilespmem:$0x1F000] =	vst v63  }
0xae: {  	_ =	swait.ge [sflag:s19], $0x4000  }
0xaf: {  	[sflag:s19] =	ssyncset.done $0x0  }
0xb0: {  	s30 =	sadd.s32 $0x1880, s20;
	[sflag:s19] =	ssyncadd.s32 $0xFFFFC000  }
0xb1: {  	[spmem:s2] =	stream.indirect.scatter.add.f32 [tilespmem:s17], [sflag:$0x3], $0x80, s30, s15, $0xb8;
	[tilespmem:$0x1F000] =	vst v63  }
0xb2: {  	_ =	swait.ge [sflag:s13], $0x4000  }
0xb3: {  	[sflag:s13] =	ssyncset.done $0x0  }
0xb4: {  	s31 =	sadd.s32 $0x180, s20;
	[sflag:s13] =	ssyncadd.s32 $0xFFFFC000  }
0xb5: {  	[tilespmem:s17], [sflag:$0x2] =	stream.indirect.gather [hbm4b:s4+s15], $0x80, s31, s15, $0xb8;
	[tilespmem:$0x1F000] =	vst v63  }
0xb6: {  	_ =	swait.ge [sflag:s18], $0x4000  }
0xb7: {  	[sflag:s18] =	ssyncset.done $0x0  }
0xb8: {  	s22 =	sadd.s32 $0x1900, s20;
	[sflag:s18] =	ssyncadd.s32 $0xFFFFC000  }
0xb9: {  	[spmem:s2] =	stream.indirect.scatter.add.f32 [tilespmem:s16], [sflag:$0x3], $0x80, s22, s15, $0xb8;
	[tilespmem:$0x1F000] =	vst v63  }
0xba: {  	_ =	swait.ge [sflag:s13], $0x4000  }
0xbb: {  	[sflag:s13] =	ssyncset.done $0x0  }
0xbc: {  	s23 =	sadd.s32 $0x200, s20;
	[sflag:s13] =	ssyncadd.s32 $0xFFFFC000  }
0xbd: {  	[tilespmem:s16], [sflag:$0x1] =	stream.indirect.gather [hbm4b:s4+s15], $0x80, s23, s15, $0xb8;
	[tilespmem:$0x1F000] =	vst v63  }
0xbe: {  	_ =	swait.ge [sflag:s19], $0x4000  }
0xbf: {  	[sflag:s19] =	ssyncset.done $0x0  }
0xc0: {  	s24 =	sadd.s32 $0x1980, s20;
	[sflag:s19] =	ssyncadd.s32 $0xFFFFC000  }
0xc1: {  	[spmem:s2] =	stream.indirect.scatter.add.f32 [tilespmem:s17], [sflag:$0x3], $0x80, s24, s15, $0xb8;
	[tilespmem:$0x1F000] =	vst v63  }
0xc2: {  	_ =	swait.ge [sflag:s13], $0x4000  }
0xc3: {  	[sflag:s13] =	ssyncset.done $0x0  }
0xc4: {  	s25 =	sadd.s32 $0x280, s20;
	[sflag:s13] =	ssyncadd.s32 $0xFFFFC000  }
0xc5: {  	[tilespmem:s17], [sflag:$0x2] =	stream.indirect.gather [hbm4b:s4+s15], $0x80, s25, s15, $0xb8;
	[tilespmem:$0x1F000] =	vst v63  }
0xc6: {  	_ =	swait.ge [sflag:s18], $0x4000  }
0xc7: {  	[sflag:s18] =	ssyncset.done $0x0  }
0xc8: {  	s26 =	sadd.s32 $0x1A00, s20;
	[sflag:s18] =	ssyncadd.s32 $0xFFFFC000  }
0xc9: {  	[spmem:s2] =	stream.indirect.scatter.add.f32 [tilespmem:s16], [sflag:$0x3], $0x80, s26, s15, $0xb8;
	[tilespmem:$0x1F000] =	vst v63  }
0xca: {  	_ =	swait.ge [sflag:s13], $0x4000  }
0xcb: {  	[sflag:s13] =	ssyncset.done $0x0  }
0xcc: {  	s28 =	sadd.s32 $0x300, s20;
	[sflag:s13] =	ssyncadd.s32 $0xFFFFC000  }
0xcd: {  	[tilespmem:s16], [sflag:$0x1] =	stream.indirect.gather [hbm4b:s4+s15], $0x80, s28, s15, $0xb8;
	[tilespmem:$0x1F000] =	vst v63  }
0xce: {  	_ =	swait.ge [sflag:s19], $0x4000  }
0xcf: {  	[sflag:s19] =	ssyncset.done $0x0  }
0xd0: {  	s29 =	sadd.s32 $0x1A80, s20;
	[sflag:s19] =	ssyncadd.s32 $0xFFFFC000  }
0xd1: {  	[spmem:s2] =	stream.indirect.scatter.add.f32 [tilespmem:s17], [sflag:$0x3], $0x80, s29, s15, $0xb8;
	[tilespmem:$0x1F000] =	vst v63  }
0xd2: {  	_ =	swait.ge [sflag:s13], $0x4000  }
0xd3: {  	[sflag:s13] =	ssyncset.done $0x0  }
0xd4: {  	s30 =	sadd.s32 $0x380, s20;
	[sflag:s13] =	ssyncadd.s32 $0xFFFFC000  }
0xd5: {  	[tilespmem:s17], [sflag:$0x2] =	stream.indirect.gather [hbm4b:s4+s15], $0x80, s30, s15, $0xb8;
	[tilespmem:$0x1F000] =	vst v63  }
0xd6: {  	_ =	swait.ge [sflag:s18], $0x4000  }
0xd7: {  	[sflag:s18] =	ssyncset.done $0x0  }
0xd8: {  	s31 =	sadd.s32 $0x1B00, s20;
	[sflag:s18] =	ssyncadd.s32 $0xFFFFC000  }
0xd9: {  	[spmem:s2] =	stream.indirect.scatter.add.f32 [tilespmem:s16], [sflag:$0x3], $0x80, s31, s15, $0xb8;
	[tilespmem:$0x1F000] =	vst v63  }
0xda: {  	_ =	swait.ge [sflag:s13], $0x4000  }
0xdb: {  	[sflag:s13] =	ssyncset.done $0x0  }
0xdc: {  	[sflag:s13] =	ssyncadd.s32 $0xFFFFC000  }
0xdd: {  	_ =	swait.ge [sflag:s19], $0x4000  }
0xde: {  	[sflag:s19] =	ssyncset.done $0x0  }
.Ltmp1:
0xdf: {  	s20 =	sadd.s32 $0x1B80, s20;
	[sflag:s19] =	ssyncadd.s32 $0xFFFFC000;
	(pc) =	sbr.rel @p0 .LBB2_2-.Ltmp1, $4  }
0xe0: {  	[spmem:s2] =	stream.indirect.scatter.add.f32 [tilespmem:s17], [sflag:$0x3], $0x80, s20, s15, $0xb8;
	[tilespmem:$0x1F000] =	vst v63  }
0xe1: {  	_ =	swait.ge [sflag:s13], $0x4000  }
0xe2: {  	[sflag:s13] =	ssyncset.done $0x0  }
0xe3: {  	p1 =	por $0x0, $0x0;
	s20 =	simm.s32 $0x1800;
	[sflag:s13] =	ssyncadd.s32 $0xFFFFC000  }
0xe4: {  	s3 =	sadd.s32 $0x1, s3  }
0xe5: {  	p0 =	sne.s32 s3, s11  }
.Ltmp2:
0xe6: {  	[bflag:$0x0] =	sbarrier.arrive $0xFFFF;
	(pc) =	sbr.rel @p0 .LBB2_1-.Ltmp2, $4  }
0xe7: {  	[hbm:s10], [sflag:s8] =	dma.local [spmem:s12], $0x2800  }
0xe8: {  	_ =	swait.ge [sflag:s13], $0x2800  }
0xe9: {  	[sflag:s13] =	ssyncset.done $0x0  }
0xea: {  	[sflag:s13] =	ssyncadd.s32 $0xFFFFD800  }
0xeb: {  	_ =	sfence.sel $0x180000  }
0xec: {  	[bflag:$0x0] =	sbarrier.arrive $0xFFFF  }
0xed: {  	p0 =	sne.s32 s1, $0x0;
	_ =	strace $0x9000004D  }
0xee: {  	s0 =	sadd.s32 @!p0 $0x100000, s0;
	[bflag:$0x2] =	sbarrier.arrive $0xFFFF  }
0xef: {  	[sflag:s0] =	ssyncadd.tile.s32 @!p0 $0x1;
	_ =	shalt  }
.Lfunc_end2:
_tile_overlayer_lowered:
.L_overlay_start_2:
0xf0: {  	(tag) =	ssettag $0x2  }
0xf1: {  	s0 =	rddreg [dreg:$0x0];
	s2 =	stileid.u32  }
0xf2: {  	s1 =	rddreg [dreg:$0x1];
	p0 =	sne.s32 s2, $0x0  }
0xf3: {  	s3 =	rddreg [dreg:$0x2];
	[bflag:$0x3] =	sbarrier.arrive $0xFFFF;
	s2 =	simm.s32 @!p0 $0x1C03  }
0xf4: {  	[timem:s3], [sflag:s2] =	dma.local @!p0 [hbm:s0], s1  }
0xf5: {  	s0 =	simm.s32 @!p0 $0x3  }
0xf6: {  	_ =	swait.ge @!p0 [sflag:s0], s1  }
0xf7: {  	s1 =	ssub.s32 @!p0 $0x0, s1;
	[sflag:s0] =	ssyncset.done @!p0 $0x0  }
0xf8: {  	[sflag:s0] =	ssyncadd.s32 @!p0 s1  }
0xf9: {  	[bflag:$0x3] =	sbarrier.arrive $0xFFFF  }
0xfa: {  	_ =	shalt  }

// kernel: kernel.8.cloned.1.call-start
scs
__scs_entry_jumppad:
0x0: {  	(pc) =	sbr.rel $0x88, $3  }
0x1: {  	(tag) =	ssettag $0x0;
	lr =	simm.s32 $0x1  }
0x2: {  	[smem:$0x3F9B] =	sst lr;
	_ =	strace $0xD0000000  }
0x3: {  	_ = 	snop  }
0x4: {  	_ = 	snop  }
0x5: {  	_ = 	snop  }
0x6: {  	_ = 	snop  }
0x7: {  	_ = 	snop  }
__scs_overlays_trampoline_lowered:
0x8: {  	[smem:$0x3FAA] =	sst s0  }
0x9: {  	[smem:$0x3FAB] =	sst s1  }
0xa: {  	[smem:$0x3FAC] =	sst s2  }
0xb: {  	[smem:$0x3FAD] =	sst s3  }
0xc: {  	[smem:$0x3FAE] =	sst s4  }
0xd: {  	[smem:$0x3FAF] =	sst s5  }
0xe: {  	[smem:$0x3FB0] =	sst s6  }
0xf: {  	[smem:$0x3FB1] =	sst s7  }
0x10: {  	[smem:$0x3FB2] =	sst s8  }
0x11: {  	[smem:$0x3FB3] =	sst s9;
	s0 =	simm.s32 @!p0 $0x0  }
0x12: {  	s1 =	sld [smem:$0x3F99];
	s0 =	simm.s32 @p0 $0x1  }
0x13: {  	[smem:$0x3FB4] =	sst s0;
	s0 =	simm.s32 @!p1 $0x0  }
0x14: {  	s2 =	sld [smem:$0x3F98];
	s0 =	simm.s32 @p1 $0x1  }
0x15: {  	[smem:$0x3FB5] =	sst s0;
	s0 =	simm.s32 @!p2 $0x0  }
0x16: {  	s3 =	sld [smem:$0x3FDB];
	s0 =	simm.s32 @p2 $0x1  }
0x17: {  	s4 =	simm.s32 $0x1BF5;
	[smem:$0x3FB7] =	sst s0  }
0x18: {  	s0 =	sld [smem:$0x3F9A];
	_ =	swait.ge [sflag:s4], $0x0  }
0x19: {  	s7 =	sld [smem:$0x3F9B]  }
0x1a: {  	s8 =	sadd.s32 $0xFFFFE003, lr  }
0x1b: {  	s9 =	sadd.s32 $0xFFFFFEF7, lr;
	s5 =	simm.s32 $0xFFFFFFFF;
	p2 =	slt.u32 s8, $0xFFFFF086  }
0x1c: {  	p1 =	slt.u32 s9, $0xF7A;
	s5 =	simm.s32 @!p2 $0x0  }
0x1d: {  	s5 =	simm.s32 @p1 $0x1;
	p0 =	seq.s32 s7, s2  }
0x1e: {  	s7 =	smul.u32 @!p0 $0xF7A, s2;
	p2 =	seq.s32 @!p0 s5, $0x0  }
0x1f: {  	s9 =	smul.u32 $0xF7A, s1;
	s8 =	simm.s32 @!p0 $0x1BF5;
	p2 =	por !p2, p0  }
0x20: {  	[sflag:s8] =	ssyncset.s32 @!p0 $0xFFFFF086;
	s6 =	sadd.s32 @!p0 s3, s7;
	s7 =	simm.s32 @!p0 $0x108  }
0x21: {  	s3 =	sadd.s32 s3, s9;
	s6 =	sadd.s32 @!p0 $0x88, s6;
	s7 =	simm.s32 @p2 $0x1082  }
0x22: {  	[simem:s7], [sflag:s8] =	dma.local @!p0 [hbm:s6], $0xF7A  }
0x23: {  	s9 =	sor.u32 $0xD0000000, s2;
	s6 =	simm.s32 $0x108;
	_ =	swait.ge @!p0 [sflag:s8], $0x0  }
0x24: {  	s3 =	sadd.s32 $0x88, s3;
	s6 =	simm.s32 @!p1 $0x1082;
	[sflag:s4] =	ssyncset.s32 $0xFFFFF086  }
0x25: {  	[simem:s6], [sflag:s4] =	dma.local [hbm:s3], $0xF7A  }
0x26: {  	[smem:$0x3F9B] =	sst s1;
	(tag) =	ssettag s2;
	_ =	strace s9  }
0x27: {  	s1 =	sld [smem:$0x3FAB]  }
0x28: {  	s2 =	sld [smem:$0x3FAC]  }
0x29: {  	s4 =	sld [smem:$0x3FAE]  }
0x2a: {  	p0 =	seq.s32 s5, $0x0;
	s5 =	sld [smem:$0x3FAF]  }
0x2b: {  	s6 =	sld [smem:$0x3FB0]  }
0x2c: {  	s7 =	sld [smem:$0x3FB1]  }
0x2d: {  	s3 =	simm.s32 $0x108;
	s8 =	sld [smem:$0x3FB2]  }
0x2e: {  	s3 =	simm.s32 @!p0 $0x1082;
	s9 =	sld [smem:$0x3FB3]  }
0x2f: {  	lr =	sadd.s32 s0, s3;
	s0 =	sld [smem:$0x3FAA]  }
0x30: {  	s3 =	sld [smem:$0x3FAD]  }
0x31: {  	[smem:$0x3FB6] =	sst s10  }
0x32: {  	s10 =	sld [smem:$0x3FB4];
	_ =	sdelay $0x3  }
0x33: {  	p0 =	seq.s32 s10, $0x1;
	s10 =	sld [smem:$0x3FB6];
	_ =	sdelay $0x3  }
0x34: {  	[smem:$0x3FB6] =	sst s10  }
0x35: {  	s10 =	sld [smem:$0x3FB5];
	_ =	sdelay $0x3  }
0x36: {  	p1 =	seq.s32 s10, $0x1;
	s10 =	sld [smem:$0x3FB6];
	_ =	sdelay $0x3  }
0x37: {  	[smem:$0x3FB6] =	sst s10  }
0x38: {  	s10 =	sld [smem:$0x3FB7]  }
0x39: {  	_ = 	snop;
	(pc) =	sbr.ind lr, $3  }
0x3a: {  	_ = 	snop  }
0x3b: {  	_ = 	snop  }
0x3c: {  	p2 =	seq.s32 s10, $0x1;
	s10 =	sld [smem:$0x3FB6]  }
0x3d: {  	_ =	shalt  }
0x3e: {  	_ =	shalt  }
0x3f: {  	_ =	shalt  }
0x40: {  	_ =	shalt  }
0x41: {  	_ =	shalt  }
0x42: {  	_ =	shalt  }
0x43: {  	_ =	shalt  }
0x44: {  	_ =	shalt  }
0x45: {  	_ =	shalt  }
0x46: {  	_ =	shalt  }
0x47: {  	_ =	shalt  }
0x48: {  	_ =	shalt  }
0x49: {  	_ =	shalt  }
0x4a: {  	_ =	shalt  }
0x4b: {  	_ =	shalt  }
0x4c: {  	_ =	shalt  }
0x4d: {  	_ =	shalt  }
0x4e: {  	_ =	shalt  }
0x4f: {  	_ =	shalt  }
0x50: {  	_ =	shalt  }
0x51: {  	_ =	shalt  }
0x52: {  	_ =	shalt  }
0x53: {  	_ =	shalt  }
0x54: {  	_ =	shalt  }
0x55: {  	_ =	shalt  }
0x56: {  	_ =	shalt  }
0x57: {  	_ =	shalt  }
0x58: {  	_ =	shalt  }
0x59: {  	_ =	shalt  }
0x5a: {  	_ =	shalt  }
0x5b: {  	_ =	shalt  }
0x5c: {  	_ =	shalt  }
0x5d: {  	_ =	shalt  }
0x5e: {  	_ =	shalt  }
0x5f: {  	_ =	shalt  }
0x60: {  	_ =	shalt  }
0x61: {  	_ =	shalt  }
0x62: {  	_ =	shalt  }
0x63: {  	_ =	shalt  }
0x64: {  	_ =	shalt  }
0x65: {  	_ =	shalt  }
0x66: {  	_ =	shalt  }
0x67: {  	_ =	shalt  }
0x68: {  	_ =	shalt  }
0x69: {  	_ =	shalt  }
0x6a: {  	_ =	shalt  }
0x6b: {  	_ =	shalt  }
0x6c: {  	_ =	shalt  }
0x6d: {  	_ =	shalt  }
0x6e: {  	_ =	shalt  }
0x6f: {  	_ =	shalt  }
0x70: {  	_ =	shalt  }
0x71: {  	_ =	shalt  }
0x72: {  	_ =	shalt  }
0x73: {  	_ =	shalt  }
0x74: {  	_ =	shalt  }
0x75: {  	_ =	shalt  }
0x76: {  	_ =	shalt  }
0x77: {  	_ =	shalt  }
0x78: {  	_ =	shalt  }
0x79: {  	_ =	shalt  }
0x7a: {  	_ =	shalt  }
0x7b: {  	_ =	shalt  }
0x7c: {  	_ =	shalt  }
0x7d: {  	_ =	shalt  }
0x7e: {  	_ =	shalt  }
0x7f: {  	_ =	shalt  }
0x80: {  	_ =	shalt  }
0x81: {  	_ =	shalt  }
0x82: {  	_ =	shalt  }
0x83: {  	_ =	shalt  }
0x84: {  	_ =	shalt  }
0x85: {  	_ =	shalt  }
0x86: {  	_ =	shalt  }
0x87: {  	_ =	shalt  }
.Lfunc_end0:
.L_simem_size_0:
called_computation_lowered:
.L_overlay_start_0:
0x88: {  	s2 =	sld [smem:$0x3FD9]  }
0x89: {  	s3 =	sld [smem:$0x3FFE];
	_ =	sdelay $0x1  }
0x8a: {  	s1 =	srdreg.scid  }
0x8b: {  	s0 =	sand.u32 $0x1, s1  }
0x8c: {  	s17 =	sshll.u32 s0, $0xA;
	s2 =	sadd.s32 s3, s2  }
0x8d: {  	s2 =	sadd.s32 s2, s17  }
0x8e: {  	[smem:$0x3FC2] =	sst s2  }
0x8f: {  	_ = 	snop  }
0x90: {  	s2 =	sld [smem:$0x3FD0];
	(tm) =	ssettm $0x1  }
0x91: {  	s18 =	sld [smem:$0x3FFB];
	_ =	sdelay $0x3  }
0x92: {  	_ =	strace s18  }
0x93: {  	s3 =	sld [smem:$0x3FFC];
	_ =	sdelay $0x3  }
0x94: {  	_ =	strace s3  }
0x95: {  	s3 =	sld [smem:$0x3FFD];
	_ =	sdelay $0x3  }
0x96: {  	_ =	strace s3  }
0x97: {  	_ =	strace $0x8FFFFFFF  }
0x98: {  	s19 =	sld [smem:$0x3FDB];
	_ =	sdelay $0x1  }
0x99: {  	s4 =	simm.s32 $_scs_section_size  }
0x9a: {  	s5 =	simm.s32 $_size__tile_overlayer_lowered;
	s6 =	simm.s32 $_tile_overlayer_lowered  }
0x9b: {  	s22 =	simm.s32 $0x1BFF;
	s21 =	sshll.u32 s6, $0x1;
	s3 =	sadd.s32 s4, s19  }
0x9c: {  	s7 =	simm.s32 $0x0;
	s20 =	sshll.u32 s5, $0x1;
	s5 =	sadd.s32 s21, s3  }
0x9d: {  	[timem:s7], [sflag:s22] =	dma.local [hbm:s5], s20  }
0x9e: {  	_ =	swait.ge [sflag:s22], s20  }
0x9f: {  	s4 =	ssub.s32 $0x0, s20;
	[sflag:s22] =	ssyncset.done $0x0  }
0xa0: {  	[sflag:s22] =	ssyncadd.s32 s4;
	_ =	sdelay $0x1  }
0xa1: {  	s23 =	simm.s32 $0x1B8B  }
0xa2: {  	_ =	swait.ge [sflag:s23], $0x1  }
0xa3: {  	[sflag:s23] =	ssyncset.done $0x0  }
0xa4: {  	s25 =	simm.s32 $0x1B8E;
	s24 =	sld [smem:$0x3FFE];
	[sflag:s23] =	ssyncadd.s32 $0xFFFFFFFF  }
0xa5: {  	s26 =	simm.s32 $execute0_lowered;
	[smem:$0x3FD2] =	sst s25  }
0xa6: {  	s5 =	sshll.u32 s26, $0x1;
	_ =	strace $0x80000046;
	[dreg:$0x1] =	wrdreg $0xFFFFFFFF  }
0xa7: {  	s28 =	simm.s32 $_size_execute0_lowered;
	s3 =	sadd.s32 s3, s5;
	[dreg:$0x0] =	wrdreg $0x0  }
0xa8: {  	s5 =	sshll.u32 s28, $0x1;
	[dreg:$0x2] =	wrdreg s3  }
0xa9: {  	[dreg:$0x3] =	wrdreg s5  }
0xaa: {  	[dreg:$0x4] =	wrdreg $0xC0  }
0xab: {  	_ =	task [dreg:s7], $0x5FFFF  }
0xac: {  	[dreg:$0x1] =	wrdreg $0xFFFFFFFF  }
0xad: {  	[dreg:$0x0] =	wrdreg $0x60  }
0xae: {  	[dreg:$0x2] =	wrdreg s24  }
0xaf: {  	[dreg:$0x3] =	wrdreg s2  }
0xb0: {  	[dreg:$0x4] =	wrdreg $0x70000  }
0xb1: {  	[dreg:$0x5] =	wrdreg $0x9  }
0xb2: {  	_ =	task.clear_ibuf [dreg:s7], $0x6FFFF;
	_ =	strace $0x90000046  }
0xb3: {  	s29 =	simm.s32 $0x9;
	_ =	strace $0x80000048  }
0xb4: {  	_ =	swait.ge [sflag:s29], $0x1  }
0xb5: {  	[sflag:s29] =	ssyncadd.s32 $0xFFFFFFFF  }
0xb6: {  	_ =	strace $0x90000048  }
0xb7: {  	_ =	sfence  }
0xb8: {  	s30 =	sld [smem:$0x0];
	_ =	sdelay $0x2  }
0xb9: {  	s31 =	sshll.u32 s1, $0xD;
	s1 =	sshrl.u32 s1, $0x2  }
0xba: {  	s3 =	sand.u32 $0x4000, s31;
	s1 =	sadd.s32 s1, s30  }
0xbb: {  	s0 =	sor.u32 s3, s0;
	s1 =	sshll.u32 s1, $0x11  }
0xbc: {  	s0 =	sor.u32 s1, s0  }
0xbd: {  	s0 =	sadd.s32 $0x8F2B, s0  }
0xbe: {  	[sflag:s0] =	ssyncadd.remote.s32 $0x1  }
0xbf: {  	_ =	sfence.sel $0xFFFF  }
0xc0: {  	[dreg:$0x0] =	wrdreg $0xFFFFFFFF;
	(pc) =	sbr.abs _section_cstart, $3  }
0xc1: {  	[dreg:$0x1] =	wrdreg $0xFFFFFFFF  }
0xc2: {  	_ =	task.clear_ibuf [dreg:s7], $0x2FFFF;
	_ =	strace $0x9FFFFFFF  }
0xc3: {  	(tm) =	ssettm $0x7FFFFFFF  }
tec
execute0_lowered:
.L_overlay_start_1:
0x0: {  	(tag) =	ssettag $0x1  }
0x1: {  	s5 =	rddreg [dreg:$0x0]  }
0x2: {  	s1 =	srdreg.scid;
	s6 =	rddreg [dreg:$0x1]  }
0x3: {  	s0 =	stileid.u32;
	s2 =	rddreg [dreg:$0x2];
	s3 =	simm.s32 $0x0  }
0x4: {  	s13 =	simm.s32 $0x80;
	s14 =	simm.s32 $0x0;
	s4 =	sand.u32 $0x1, s1  }
0x5: {  	s29 =	sshll.u32 s0, $0x1;
	s1 =	rddreg [dreg:$0x3];
	s8 =	smul.u32 $0x2800, s0  }
0x6: {  	[smem:$0x7FF] =	sst s3;
	s11 =	smul.u32 $0x50000, s0;
	s31 =	sshll.u32 s0, $0x6  }
0x7: {  	s7 =	sor.u32 s4, s29;
	_ =	strace $0x80000047;
	s9 =	smul.u32 $0x28000, s4  }
0x8: {  	s10 =	ssub.s32 $0x2, s4;
	s4 =	sadd.s32 $0x1BE00, s5;
	s7 =	smul.u32 $0x600, s7  }
0x9: {  	s12 =	sshrl.u32 s10, $0x1;
	s11 =	sshrl.u32 s11, $0x2;
	s6 =	sadd.s32 s6, s8  }
0xa: {  	s9 =	sadd.s32 s8, s9;
	s10 =	ssub.s32 s10, s12;
	s30 =	sadd.s32 s11, s2  }
0xb: {  	s11 =	sor.u32 $0x1C01, s31;
	s7 =	sadd.s32 s7, s5;
	s9 =	sadd.s32 s9, s5  }
0xc: {  	s8 =	smax.u32 s10, $0x1;
	s10 =	simm.s32 $0x3000;
	s12 =	sshrl.u32 s30, $0x3  }
0xd: {  	s5 =	sadd.s32 $0xFE00, s7;
	s7 =	sadd.s32 $0x1C600, s9;
	s9 =	simm.s32 $0x1  }
.LBB2_1:
0xe: {  	[tilespmem:s3], [sflag:$0x1] =	stream.linear.gather [hbm4b:s5+s3], $0x3000, $0x38;
	[tilespmem:$0x1B000] =	vst v63  }
0xf: {  	_ =	swait.ge [sflag:s9], $0x3000  }
0x10: {  	[sflag:s9] =	ssyncset.done $0x0  }
0x11: {  	[sflag:s9] =	ssyncadd.s32 $0xFFFFD000  }
0x12: {  	[tilespmem:s10], [sflag:$0x1] =	stream.linear.gather [hbm4b:s4+s3], $0x4000, $0x38;
	[tilespmem:$0x1B000] =	vst v63  }
0x13: {  	_ =	swait.ge [sflag:s9], $0x4000  }
0x14: {  	[sflag:s9] =	ssyncset.done $0x0  }
0x15: {  	[sflag:s9] =	ssyncadd.s32 $0xFFFFC000  }
0x16: {  	[spmem:s12], [sflag:s11] =	dma.local [hbm:s6], $0x2800  }
0x17: {  	_ =	swait.ge [sflag:s9], $0x2800  }
0x18: {  	[sflag:s9] =	ssyncset.done $0x0  }
0x19: {  	[sflag:s9] =	ssyncadd.s32 $0xFFFFD800  }
0x1a: {  	s15 =	simm.s32 $0x0;
	[bflag:$0x0] =	sbarrier.arrive $0xFFFF  }
0x1b: {  	[spmem:s2] =	stream.indirect.scatter.add.f32 [tilespmem:s10], [sflag:$0x1], $0x80, s15, s13, $0xb8;
	[tilespmem:$0x1B000] =	vst v63  }
0x1c: {  	_ =	swait.ge [sflag:s9], $0x4000  }
0x1d: {  	s15 =	simm.s32 $0x200;
	[sflag:s9] =	ssyncset.done $0x0  }
.LBB2_2:
0x1e: {  	s16 =	sshra.s32 s15, $0x2;
	[sflag:s9] =	ssyncadd.s32 $0xFFFFC000;
	p0 =	sne.s32 s15, $0xBE00  }
0x1f: {  	[spmem:s2] =	stream.indirect.scatter.add.f32 [tilespmem:s10], [sflag:$0x1], $0x80, s16, s13, $0xb8;
	[tilespmem:$0x1B000] =	vst v63  }
.Ltmp0:
0x20: {  	_ = 	snop;
	(pc) =	sbr.rel @p0 .LBB2_2-.Ltmp0, $4  }
0x21: {  	_ = 	snop  }
0x22: {  	s15 =	sadd.s32 $0x200, s15  }
0x23: {  	_ =	swait.ge [sflag:s9], $0x4000  }
0x24: {  	[sflag:s9] =	ssyncset.done $0x0  }
0x25: {  	s14 =	sadd.s32 $0x1, s14  }
0x26: {  	[sflag:s9] =	ssyncadd.s32 $0xFFFFC000;
	p0 =	sne.s32 s14, s8  }
.Ltmp1:
0x27: {  	[bflag:$0x0] =	sbarrier.arrive $0xFFFF;
	(pc) =	sbr.rel @p0 .LBB2_1-.Ltmp1, $4  }
0x28: {  	[hbm:s7], [sflag:s11] =	dma.local [spmem:s12], $0x2800  }
0x29: {  	_ =	swait.ge [sflag:s9], $0x2800  }
0x2a: {  	[sflag:s9] =	ssyncset.done $0x0  }
0x2b: {  	[sflag:s9] =	ssyncadd.s32 $0xFFFFD800  }
0x2c: {  	_ =	sfence.sel $0x180000  }
0x2d: {  	[bflag:$0x0] =	sbarrier.arrive $0xFFFF  }
0x2e: {  	p0 =	sne.s32 s0, $0x0;
	_ =	strace $0x90000047  }
0x2f: {  	s0 =	sadd.s32 @!p0 $0x100000, s1;
	[bflag:$0x2] =	sbarrier.arrive $0xFFFF  }
0x30: {  	[sflag:s0] =	ssyncadd.tile.s32 @!p0 $0x1;
	_ =	shalt  }
.Lfunc_end2:
_tile_overlayer_lowered:
.L_overlay_start_2:
0x31: {  	(tag) =	ssettag $0x2  }
0x32: {  	s0 =	rddreg [dreg:$0x0];
	s2 =	stileid.u32  }
0x33: {  	s1 =	rddreg [dreg:$0x1];
	p0 =	sne.s32 s2, $0x0  }
0x34: {  	s3 =	rddreg [dreg:$0x2];
	[bflag:$0x3] =	sbarrier.arrive $0xFFFF;
	s2 =	simm.s32 @!p0 $0x1C01  }
0x35: {  	[timem:s3], [sflag:s2] =	dma.local @!p0 [hbm:s0], s1  }
0x36: {  	s0 =	simm.s32 @!p0 $0x1  }
0x37: {  	_ =	swait.ge @!p0 [sflag:s0], s1  }
0x38: {  	s1 =	ssub.s32 @!p0 $0x0, s1;
	[sflag:s0] =	ssyncset.done @!p0 $0x0  }
0x39: {  	[sflag:s0] =	ssyncadd.s32 @!p0 s1  }
0x3a: {  	[bflag:$0x3] =	sbarrier.arrive $0xFFFF  }
0x3b: {  	_ =	shalt  }

</sc_bundles>
